<compile_context>
chip_gen: v7x
topology: tpu7x:2x2x1
jax: 0.10.2.dev20260603
libtpu: 0.0.44.dev20260713+nightly
codegen_flags: <defaults>
</compile_context>

<pallas_src>
import functools

import jax
import jax.numpy as jnp
from jax import lax
from jax.experimental import pallas as pl
from jax.experimental.pallas import tpu as pltpu
from jax.experimental.pallas import tpu_sc as plsc

EMBED_DIM = 64
B = 4096
L = 50

NC = 2
NS = 16
NW = NC * NS
TOTAL = B * L
PER_W = TOTAL // NW
CHUNK = 128
NCHUNK = PER_W // CHUNK

_mesh = plsc.VectorSubcoreMesh(core_axis_name="c", subcore_axis_name="s")


@functools.partial(
    pl.kernel,
    mesh=_mesh,
    out_type=jax.ShapeDtypeStruct((TOTAL, EMBED_DIM), jnp.float32),
    scratch_types=[
        pltpu.VMEM((NCHUNK, CHUNK), jnp.int32),
        pltpu.VMEM((4, CHUNK, EMBED_DIM), jnp.float32),
        pltpu.SemaphoreType.DMA,
        pltpu.SemaphoreType.DMA,
        pltpu.SemaphoreType.DMA,
        pltpu.SemaphoreType.DMA,
        pltpu.SemaphoreType.DMA,
        pltpu.SemaphoreType.DMA,
        pltpu.SemaphoreType.DMA,
        pltpu.SemaphoreType.DMA,
    ],
    compiler_params=pltpu.CompilerParams(use_tc_tiling_on_sc=False),
)
def _gather_kernel(idx_hbm, table_hbm, out_hbm, idx_v, rows_v, *sems):
    wid = lax.axis_index("s") * NC + lax.axis_index("c")
    base = wid * PER_W
    gsems = sems[:4]
    ssems = sems[4:]
    pltpu.sync_copy(idx_hbm.at[wid], idx_v)

    def gather_desc(j, buf):
        return pltpu.make_async_copy(
            table_hbm.at[idx_v.at[j]], rows_v.at[buf], gsems[buf])

    def store_desc(j, buf):
        return pltpu.make_async_copy(
            rows_v.at[buf], out_hbm.at[pl.ds(base + j * CHUNK, CHUNK)],
            ssems[buf])

    def step(j, buf, first):
        gather_desc(j, buf).wait()
        store_desc(j, buf).start()

        if first:
            @pl.when(j >= 1)
            def _():
                store_desc(j - 1, (buf - 1) % 4).wait()
        else:
            store_desc(j - 1, (buf - 1) % 4).wait()

        @pl.when(j + 3 < NCHUNK)
        def _():
            gather_desc(j + 3, (buf + 3) % 4).start()

    for b in range(3):
        gather_desc(b, b).start()

    def chunk_body(t, carry):
        for k in range(4):
            step(4 * t + k, k, k == 0)
        return carry

    lax.fori_loop(0, NCHUNK // 4, chunk_body, 0)
    step(NCHUNK - 2, 0, False)
    step(NCHUNK - 1, 1, False)
    store_desc(NCHUNK - 1, 1).wait()


def kernel(mask, weights):
    idx = mask.reshape(NW, NCHUNK, CHUNK)
    out = _gather_kernel(idx, weights)
    return out.reshape(B, L, EMBED_DIM)

# --- scband reference (transcript-rebuilt; emitter-appended) ---
"""Pipeline reference for scband-embedding-44160853737477 (READ-ONLY COPY).

The authoritative reference and input builder live on the scoring server;
editing this copy changes nothing except your own understanding.
"""

import jax, jax.numpy as jnp
import numpy as np

VOCAB = 1000000
EMBED_DIM = 64
B = 4096
L = 50

def setup_inputs(seed: int = 0) -> dict:
    key = jax.random.key(seed)
    k1, k2 = jax.random.split(key)
    mask = jax.random.randint(k1, (B, L), 0, VOCAB, dtype=jnp.int64 if jax.config.jax_enable_x64 else jnp.int32)
    weights = jax.random.normal(k2, (VOCAB, EMBED_DIM), dtype=jnp.float32)
    return {"mask": mask, "weights": weights}

def reference(mask, weights):
    # mask.ndim == 2 with integer dtype -> gather rows: self.weights[mask]
    return jnp.take(weights, mask, axis=0)

if __name__ == "__main__":
    import jax
    _d = setup_inputs()
    print(jax.jit(kernel)(*tuple(_d.values())))

</pallas_src>

<mosaic_0001>
#map = affine_map<(d0, d1) -> (0, 0, 0)>
#map1 = affine_map<(d0, d1) -> (0, 0)>
module attributes {stable_mosaic.version = 14 : i64} {
  func.func @_gather_kernel(%arg0: i32, %arg1: i32, %arg2: memref<32x50x128xi32, #tpu.memory_space<hbm>>, %arg3: memref<1000000x64xf32, #tpu.memory_space<hbm>>, %arg4: memref<204800x64xf32, #tpu.memory_space<hbm>>, %arg5: memref<50x128xi32, #tpu.memory_space<vmem>>, %arg6: memref<4x128x64xf32, #tpu.memory_space<vmem>>, %arg7: memref<!tpu.dma_semaphore, #tpu.memory_space<semaphore_mem>>, %arg8: memref<!tpu.dma_semaphore, #tpu.memory_space<semaphore_mem>>, %arg9: memref<!tpu.dma_semaphore, #tpu.memory_space<semaphore_mem>>, %arg10: memref<!tpu.dma_semaphore, #tpu.memory_space<semaphore_mem>>, %arg11: memref<!tpu.dma_semaphore, #tpu.memory_space<semaphore_mem>>, %arg12: memref<!tpu.dma_semaphore, #tpu.memory_space<semaphore_mem>>, %arg13: memref<!tpu.dma_semaphore, #tpu.memory_space<semaphore_mem>>, %arg14: memref<!tpu.dma_semaphore, #tpu.memory_space<semaphore_mem>>) attributes {dimension_semantics = [#tpu.dimension_semantics<core_parallel>, #tpu.dimension_semantics<subcore_parallel>], iteration_bounds = array<i64: 2, 16>, scalar_prefetch = 0 : i64, scratch_operands = 10 : i64, tpu.core_type = #tpu.core_type<sc_vector_subcore>, window_params = [{transform_indices = #map}, {transform_indices = #map1}, {transform_indices = #map1}]} {
    %mul3A = arith.constant 2 : i32
    %mul3A_0 = arith.muli %arg1, %mul3A : i32
    %add3A = arith.addi %mul3A_0, %arg0 : i32
    %mul3A_1 = arith.constant 6400 : i32
    %mul3A_2 = arith.muli %add3A, %mul3A_1 : i32
    "tpu.region"() ({
      %run_scoped3A = tpu.sem_alloc : memref<!tpu.dma_semaphore, #tpu.memory_space<semaphore_mem>>
      %dma_start3A_141 = arith.constant 0 : i32
      %dma_start3A_142 = arith.constant 0 : i32
      %dma_start3A_143 = tpu.memref_slice %arg2[%add3A, %dma_start3A_141, %dma_start3A_142] : memref<32x50x128xi32, #tpu.memory_space<hbm>> -> memref<1x50x128xi32, #tpu.memory_space<hbm>>
      %dma_start3A_144 = tpu.memref_squeeze %dma_start3A_143 : memref<1x50x128xi32, #tpu.memory_space<hbm>> -> memref<50x128xi32, #tpu.memory_space<hbm>>
      %dma_start3A_145 = arith.constant 0 : i32
      %dma_start3A_146 = arith.constant 0 : i32
      %dma_start3A_147 = tpu.memref_slice %arg2[%add3A, %dma_start3A_145, %dma_start3A_146] : memref<32x50x128xi32, #tpu.memory_space<hbm>> -> memref<1x50x128xi32, #tpu.memory_space<hbm>>
      %dma_start3A_148 = tpu.memref_squeeze %dma_start3A_147 : memref<1x50x128xi32, #tpu.memory_space<hbm>> -> memref<50x128xi32, #tpu.memory_space<hbm>>
      tpu.enqueue_dma source(%dma_start3A_148 : memref<50x128xi32, #tpu.memory_space<hbm>>) target(%arg5 : memref<50x128xi32, #tpu.memory_space<vmem>>) target_semaphore(%run_scoped3A : memref<!tpu.dma_semaphore, #tpu.memory_space<semaphore_mem>>)
      %dma_wait3A_149 = arith.constant 0 : i32
      %dma_wait3A_150 = arith.constant 0 : i32
      %dma_wait3A_151 = tpu.memref_slice %arg2[%add3A, %dma_wait3A_149, %dma_wait3A_150] : memref<32x50x128xi32, #tpu.memory_space<hbm>> -> memref<1x50x128xi32, #tpu.memory_space<hbm>>
      %dma_wait3A_152 = tpu.memref_squeeze %dma_wait3A_151 : memref<1x50x128xi32, #tpu.memory_space<hbm>> -> memref<50x128xi32, #tpu.memory_space<hbm>>
      %dma_wait3A_153 = arith.constant 0 : i32
      %dma_wait3A_154 = arith.constant 0 : i32
      %dma_wait3A_155 = tpu.memref_slice %arg2[%add3A, %dma_wait3A_153, %dma_wait3A_154] : memref<32x50x128xi32, #tpu.memory_space<hbm>> -> memref<1x50x128xi32, #tpu.memory_space<hbm>>
      %dma_wait3A_156 = tpu.memref_squeeze %dma_wait3A_155 : memref<1x50x128xi32, #tpu.memory_space<hbm>> -> memref<50x128xi32, #tpu.memory_space<hbm>>
      tpu.wait_dma2 semaphore(%run_scoped3A : memref<!tpu.dma_semaphore, #tpu.memory_space<semaphore_mem>>) src(%dma_wait3A_156 : memref<50x128xi32, #tpu.memory_space<hbm>>) dst(%arg5 : memref<50x128xi32, #tpu.memory_space<vmem>>)
      tpu.yield
    }) : () -> ()
    %dma_start3A = arith.constant 0 : i32
    %dma_start3A_3 = arith.constant 0 : i32
    %dma_start3A_4 = arith.constant 0 : i32
    %dma_start3A_5 = arith.constant 0 : i32
    %dma_start3A_6 = tpu.memref_slice %arg6[%dma_start3A_3, %dma_start3A_4, %dma_start3A_5] : memref<4x128x64xf32, #tpu.memory_space<vmem>> -> memref<1x128x64xf32, #tpu.memory_space<vmem>>
    %dma_start3A_7 = tpu.memref_squeeze %dma_start3A_6 : memref<1x128x64xf32, #tpu.memory_space<vmem>> -> memref<128x64xf32, #tpu.memory_space<vmem>>
    %dma_start3A_8 = arith.constant 0 : i32
    %dma_start3A_9 = tpu.memref_slice %arg5[%dma_start3A, %dma_start3A_8] : memref<50x128xi32, #tpu.memory_space<vmem>> -> memref<1x128xi32, #tpu.memory_space<vmem>>
    %dma_start3A_10 = tpu.memref_squeeze %dma_start3A_9 : memref<1x128xi32, #tpu.memory_space<vmem>> -> memref<128xi32, #tpu.memory_space<vmem>>
    %dma_start3A_11 = arith.constant 0 : i32
    %dma_start3A_12 = arith.constant 0 : i32
    %dma_start3A_13 = tpu.memref_slice %arg3[%dma_start3A_11, %dma_start3A_12] : memref<1000000x64xf32, #tpu.memory_space<hbm>> -> memref<1000000x64xf32, #tpu.memory_space<hbm>>
    tpu.enqueue_indirect_dma source(%dma_start3A_13 : memref<1000000x64xf32, #tpu.memory_space<hbm>>) target(%dma_start3A_7 : memref<128x64xf32, #tpu.memory_space<vmem>>) offsets(%dma_start3A_10 : memref<128xi32, #tpu.memory_space<vmem>>) semaphore(%arg7 : memref<!tpu.dma_semaphore, #tpu.memory_space<semaphore_mem>>)
    %dma_start3A_14 = arith.constant 1 : i32
    %dma_start3A_15 = arith.constant 1 : i32
    %dma_start3A_16 = arith.constant 0 : i32
    %dma_start3A_17 = arith.constant 0 : i32
    %dma_start3A_18 = tpu.memref_slice %arg6[%dma_start3A_15, %dma_start3A_16, %dma_start3A_17] : memref<4x128x64xf32, #tpu.memory_space<vmem>> -> memref<1x128x64xf32, #tpu.memory_space<vmem>>
    %dma_start3A_19 = tpu.memref_squeeze %dma_start3A_18 : memref<1x128x64xf32, #tpu.memory_space<vmem>> -> memref<128x64xf32, #tpu.memory_space<vmem>>
    %dma_start3A_20 = arith.constant 0 : i32
    %dma_start3A_21 = tpu.memref_slice %arg5[%dma_start3A_14, %dma_start3A_20] : memref<50x128xi32, #tpu.memory_space<vmem>> -> memref<1x128xi32, #tpu.memory_space<vmem>>
    %dma_start3A_22 = tpu.memref_squeeze %dma_start3A_21 : memref<1x128xi32, #tpu.memory_space<vmem>> -> memref<128xi32, #tpu.memory_space<vmem>>
    %dma_start3A_23 = arith.constant 0 : i32
    %dma_start3A_24 = arith.constant 0 : i32
    %dma_start3A_25 = tpu.memref_slice %arg3[%dma_start3A_23, %dma_start3A_24] : memref<1000000x64xf32, #tpu.memory_space<hbm>> -> memref<1000000x64xf32, #tpu.memory_space<hbm>>
    tpu.enqueue_indirect_dma source(%dma_start3A_25 : memref<1000000x64xf32, #tpu.memory_space<hbm>>) target(%dma_start3A_19 : memref<128x64xf32, #tpu.memory_space<vmem>>) offsets(%dma_start3A_22 : memref<128xi32, #tpu.memory_space<vmem>>) semaphore(%arg8 : memref<!tpu.dma_semaphore, #tpu.memory_space<semaphore_mem>>)
    %dma_start3A_26 = arith.constant 2 : i32
    %dma_start3A_27 = arith.constant 2 : i32
    %dma_start3A_28 = arith.constant 0 : i32
    %dma_start3A_29 = arith.constant 0 : i32
    %dma_start3A_30 = tpu.memref_slice %arg6[%dma_start3A_27, %dma_start3A_28, %dma_start3A_29] : memref<4x128x64xf32, #tpu.memory_space<vmem>> -> memref<1x128x64xf32, #tpu.memory_space<vmem>>
    %dma_start3A_31 = tpu.memref_squeeze %dma_start3A_30 : memref<1x128x64xf32, #tpu.memory_space<vmem>> -> memref<128x64xf32, #tpu.memory_space<vmem>>
    %dma_start3A_32 = arith.constant 0 : i32
    %dma_start3A_33 = tpu.memref_slice %arg5[%dma_start3A_26, %dma_start3A_32] : memref<50x128xi32, #tpu.memory_space<vmem>> -> memref<1x128xi32, #tpu.memory_space<vmem>>
    %dma_start3A_34 = tpu.memref_squeeze %dma_start3A_33 : memref<1x128xi32, #tpu.memory_space<vmem>> -> memref<128xi32, #tpu.memory_space<vmem>>
    %dma_start3A_35 = arith.constant 0 : i32
    %dma_start3A_36 = arith.constant 0 : i32
    %dma_start3A_37 = tpu.memref_slice %arg3[%dma_start3A_35, %dma_start3A_36] : memref<1000000x64xf32, #tpu.memory_space<hbm>> -> memref<1000000x64xf32, #tpu.memory_space<hbm>>
    tpu.enqueue_indirect_dma source(%dma_start3A_37 : memref<1000000x64xf32, #tpu.memory_space<hbm>>) target(%dma_start3A_31 : memref<128x64xf32, #tpu.memory_space<vmem>>) offsets(%dma_start3A_34 : memref<128xi32, #tpu.memory_space<vmem>>) semaphore(%arg9 : memref<!tpu.dma_semaphore, #tpu.memory_space<semaphore_mem>>)
    %scan3A = arith.constant 0 : i32
    %scan3A_38 = arith.constant 0 : i32
    %scan3A_39 = arith.constant 12 : i32
    %scan3A_40 = arith.addi %scan3A_38, %scan3A_39 : i32
    %scan3A_41 = arith.constant 1 : i32
    scf.for %scan3A_141 = %scan3A_38 to %scan3A_40 step %scan3A_41  : i32 {
      %mul3A_142 = arith.constant 4 : i32
      %mul3A_143 = arith.muli %mul3A_142, %scan3A_141 : i32
      %add3A_144 = arith.constant 0 : i32
      %add3A_145 = arith.addi %mul3A_143, %add3A_144 : i32
      %dma_wait3A_146 = arith.constant 0 : i32
      %dma_wait3A_147 = arith.constant 0 : i32
      %dma_wait3A_148 = arith.constant 0 : i32
      %dma_wait3A_149 = tpu.memref_slice %arg6[%dma_wait3A_146, %dma_wait3A_147, %dma_wait3A_148] : memref<4x128x64xf32, #tpu.memory_space<vmem>> -> memref<1x128x64xf32, #tpu.memory_space<vmem>>
      %dma_wait3A_150 = tpu.memref_squeeze %dma_wait3A_149 : memref<1x128x64xf32, #tpu.memory_space<vmem>> -> memref<128x64xf32, #tpu.memory_space<vmem>>
      %dma_wait3A_151 = arith.constant 0 : i32
      %dma_wait3A_152 = tpu.memref_slice %arg5[%add3A_145, %dma_wait3A_151] : memref<50x128xi32, #tpu.memory_space<vmem>> -> memref<1x128xi32, #tpu.memory_space<vmem>>
      %dma_wait3A_153 = tpu.memref_squeeze %dma_wait3A_152 : memref<1x128xi32, #tpu.memory_space<vmem>> -> memref<128xi32, #tpu.memory_space<vmem>>
      %dma_wait3A_154 = arith.constant 0 : i32
      %dma_wait3A_155 = arith.constant 0 : i32
      %dma_wait3A_156 = tpu.memref_slice %arg3[%dma_wait3A_154, %dma_wait3A_155] : memref<1000000x64xf32, #tpu.memory_space<hbm>> -> memref<1000000x64xf32, #tpu.memory_space<hbm>>
      tpu.wait_indirect_dma semaphore(%arg7 : memref<!tpu.dma_semaphore, #tpu.memory_space<semaphore_mem>>) src(%dma_wait3A_156 : memref<1000000x64xf32, #tpu.memory_space<hbm>>) dst(%dma_wait3A_150 : memref<128x64xf32, #tpu.memory_space<vmem>>)
      %mul3A_157 = arith.constant 128 : i32
      %mul3A_158 = arith.muli %add3A_145, %mul3A_157 : i32
      %add3A_159 = arith.addi %mul3A_2, %mul3A_158 : i32
      %dma_start3A_160 = arith.constant 0 : i32
      %dma_start3A_161 = arith.constant 0 : i32
      %dma_start3A_162 = arith.constant 0 : i32
      %dma_start3A_163 = tpu.memref_slice %arg6[%dma_start3A_160, %dma_start3A_161, %dma_start3A_162] : memref<4x128x64xf32, #tpu.memory_space<vmem>> -> memref<1x128x64xf32, #tpu.memory_space<vmem>>
      %dma_start3A_164 = tpu.memref_squeeze %dma_start3A_163 : memref<1x128x64xf32, #tpu.memory_space<vmem>> -> memref<128x64xf32, #tpu.memory_space<vmem>>
      %dma_start3A_165 = arith.constant 0 : i32
      %dma_start3A_166 = tpu.memref_slice %arg4[%add3A_159, %dma_start3A_165] : memref<204800x64xf32, #tpu.memory_space<hbm>> -> memref<128x64xf32, #tpu.memory_space<hbm>>
      %dma_start3A_167 = arith.constant 0 : i32
      %dma_start3A_168 = tpu.memref_slice %arg4[%add3A_159, %dma_start3A_167] : memref<204800x64xf32, #tpu.memory_space<hbm>> -> memref<128x64xf32, #tpu.memory_space<hbm>>
      %dma_start3A_169 = arith.constant 0 : i32
      %dma_start3A_170 = arith.constant 0 : i32
      %dma_start3A_171 = tpu.memref_slice %arg6[%dma_start3A_160, %dma_start3A_169, %dma_start3A_170] : memref<4x128x64xf32, #tpu.memory_space<vmem>> -> memref<1x128x64xf32, #tpu.memory_space<vmem>>
      %dma_start3A_172 = tpu.memref_squeeze %dma_start3A_171 : memref<1x128x64xf32, #tpu.memory_space<vmem>> -> memref<128x64xf32, #tpu.memory_space<vmem>>
      tpu.enqueue_dma source(%dma_start3A_172 : memref<128x64xf32, #tpu.memory_space<vmem>>) target(%dma_start3A_168 : memref<128x64xf32, #tpu.memory_space<hbm>>) target_semaphore(%arg11 : memref<!tpu.dma_semaphore, #tpu.memory_space<semaphore_mem>>)
      %ge3A = arith.constant 1 : i32
      %ge3A_173 = arith.cmpi sge, %add3A_145, %ge3A : i32
      %convert_element_type3A = arith.extui %ge3A_173 : i1 to i32
      %cond3A = arith.constant 0 : i32
      %cond3A_174 = arith.cmpi ne, %convert_element_type3A, %cond3A : i32
      scf.if %cond3A_174 {
        %sub3A_348 = arith.constant 1 : i32
        %sub3A_349 = arith.subi %add3A_145, %sub3A_348 : i32
        %mul3A_350 = arith.constant 128 : i32
        %mul3A_351 = arith.muli %sub3A_349, %mul3A_350 : i32
        %add3A_352 = arith.addi %mul3A_2, %mul3A_351 : i32
        %dma_wait3A_353 = arith.constant 3 : i32
        %dma_wait3A_354 = arith.constant 0 : i32
        %dma_wait3A_355 = arith.constant 0 : i32
        %dma_wait3A_356 = tpu.memref_slice %arg6[%dma_wait3A_353, %dma_wait3A_354, %dma_wait3A_355] : memref<4x128x64xf32, #tpu.memory_space<vmem>> -> memref<1x128x64xf32, #tpu.memory_space<vmem>>
        %dma_wait3A_357 = tpu.memref_squeeze %dma_wait3A_356 : memref<1x128x64xf32, #tpu.memory_space<vmem>> -> memref<128x64xf32, #tpu.memory_space<vmem>>
        %dma_wait3A_358 = arith.constant 0 : i32
        %dma_wait3A_359 = tpu.memref_slice %arg4[%add3A_352, %dma_wait3A_358] : memref<204800x64xf32, #tpu.memory_space<hbm>> -> memref<128x64xf32, #tpu.memory_space<hbm>>
        %dma_wait3A_360 = arith.constant 0 : i32
        %dma_wait3A_361 = tpu.memref_slice %arg4[%add3A_352, %dma_wait3A_360] : memref<204800x64xf32, #tpu.memory_space<hbm>> -> memref<128x64xf32, #tpu.memory_space<hbm>>
        %dma_wait3A_362 = arith.constant 0 : i32
        %dma_wait3A_363 = arith.constant 0 : i32
        %dma_wait3A_364 = tpu.memref_slice %arg6[%dma_wait3A_353, %dma_wait3A_362, %dma_wait3A_363] : memref<4x128x64xf32, #tpu.memory_space<vmem>> -> memref<1x128x64xf32, #tpu.memory_space<vmem>>
        %dma_wait3A_365 = tpu.memref_squeeze %dma_wait3A_364 : memref<1x128x64xf32, #tpu.memory_space<vmem>> -> memref<128x64xf32, #tpu.memory_space<vmem>>
        tpu.wait_dma2 semaphore(%arg14 : memref<!tpu.dma_semaphore, #tpu.memory_space<semaphore_mem>>) src(%dma_wait3A_365 : memref<128x64xf32, #tpu.memory_space<vmem>>) dst(%dma_wait3A_361 : memref<128x64xf32, #tpu.memory_space<hbm>>)
      } else {
      }
      %add3A_175 = arith.constant 3 : i32
      %add3A_176 = arith.addi %add3A_145, %add3A_175 : i32
      %lt3A = arith.constant 50 : i32
      %lt3A_177 = arith.cmpi slt, %add3A_176, %lt3A : i32
      %convert_element_type3A_178 = arith.extui %lt3A_177 : i1 to i32
      %cond3A_179 = arith.constant 0 : i32
      %cond3A_180 = arith.cmpi ne, %convert_element_type3A_178, %cond3A_179 : i32
      scf.if %cond3A_180 {
        %add3A_348 = arith.constant 3 : i32
        %add3A_349 = arith.addi %add3A_145, %add3A_348 : i32
        %dma_start3A_350 = arith.constant 3 : i32
        %dma_start3A_351 = arith.constant 0 : i32
        %dma_start3A_352 = arith.constant 0 : i32
        %dma_start3A_353 = tpu.memref_slice %arg6[%dma_start3A_350, %dma_start3A_351, %dma_start3A_352] : memref<4x128x64xf32, #tpu.memory_space<vmem>> -> memref<1x128x64xf32, #tpu.memory_space<vmem>>
        %dma_start3A_354 = tpu.memref_squeeze %dma_start3A_353 : memref<1x128x64xf32, #tpu.memory_space<vmem>> -> memref<128x64xf32, #tpu.memory_space<vmem>>
        %dma_start3A_355 = arith.constant 0 : i32
        %dma_start3A_356 = tpu.memref_slice %arg5[%add3A_349, %dma_start3A_355] : memref<50x128xi32, #tpu.memory_space<vmem>> -> memref<1x128xi32, #tpu.memory_space<vmem>>
        %dma_start3A_357 = tpu.memref_squeeze %dma_start3A_356 : memref<1x128xi32, #tpu.memory_space<vmem>> -> memref<128xi32, #tpu.memory_space<vmem>>
        %dma_start3A_358 = arith.constant 0 : i32
        %dma_start3A_359 = arith.constant 0 : i32
        %dma_start3A_360 = tpu.memref_slice %arg3[%dma_start3A_358, %dma_start3A_359] : memref<1000000x64xf32, #tpu.memory_space<hbm>> -> memref<1000000x64xf32, #tpu.memory_space<hbm>>
        tpu.enqueue_indirect_dma source(%dma_start3A_360 : memref<1000000x64xf32, #tpu.memory_space<hbm>>) target(%dma_start3A_354 : memref<128x64xf32, #tpu.memory_space<vmem>>) offsets(%dma_start3A_357 : memref<128xi32, #tpu.memory_space<vmem>>) semaphore(%arg10 : memref<!tpu.dma_semaphore, #tpu.memory_space<semaphore_mem>>)
      } else {
      }
      %mul3A_181 = arith.constant 4 : i32
      %mul3A_182 = arith.muli %mul3A_181, %scan3A_141 : i32
      %add3A_183 = arith.constant 1 : i32
      %add3A_184 = arith.addi %mul3A_182, %add3A_183 : i32
      %dma_wait3A_185 = arith.constant 1 : i32
      %dma_wait3A_186 = arith.constant 0 : i32
      %dma_wait3A_187 = arith.constant 0 : i32
      %dma_wait3A_188 = tpu.memref_slice %arg6[%dma_wait3A_185, %dma_wait3A_186, %dma_wait3A_187] : memref<4x128x64xf32, #tpu.memory_space<vmem>> -> memref<1x128x64xf32, #tpu.memory_space<vmem>>
      %dma_wait3A_189 = tpu.memref_squeeze %dma_wait3A_188 : memref<1x128x64xf32, #tpu.memory_space<vmem>> -> memref<128x64xf32, #tpu.memory_space<vmem>>
      %dma_wait3A_190 = arith.constant 0 : i32
      %dma_wait3A_191 = tpu.memref_slice %arg5[%add3A_184, %dma_wait3A_190] : memref<50x128xi32, #tpu.memory_space<vmem>> -> memref<1x128xi32, #tpu.memory_space<vmem>>
      %dma_wait3A_192 = tpu.memref_squeeze %dma_wait3A_191 : memref<1x128xi32, #tpu.memory_space<vmem>> -> memref<128xi32, #tpu.memory_space<vmem>>
      %dma_wait3A_193 = arith.constant 0 : i32
      %dma_wait3A_194 = arith.constant 0 : i32
      %dma_wait3A_195 = tpu.memref_slice %arg3[%dma_wait3A_193, %dma_wait3A_194] : memref<1000000x64xf32, #tpu.memory_space<hbm>> -> memref<1000000x64xf32, #tpu.memory_space<hbm>>
      tpu.wait_indirect_dma semaphore(%arg8 : memref<!tpu.dma_semaphore, #tpu.memory_space<semaphore_mem>>) src(%dma_wait3A_195 : memref<1000000x64xf32, #tpu.memory_space<hbm>>) dst(%dma_wait3A_189 : memref<128x64xf32, #tpu.memory_space<vmem>>)
      %mul3A_196 = arith.constant 128 : i32
      %mul3A_197 = arith.muli %add3A_184, %mul3A_196 : i32
      %add3A_198 = arith.addi %mul3A_2, %mul3A_197 : i32
      %dma_start3A_199 = arith.constant 1 : i32
      %dma_start3A_200 = arith.constant 0 : i32
      %dma_start3A_201 = arith.constant 0 : i32
      %dma_start3A_202 = tpu.memref_slice %arg6[%dma_start3A_199, %dma_start3A_200, %dma_start3A_201] : memref<4x128x64xf32, #tpu.memory_space<vmem>> -> memref<1x128x64xf32, #tpu.memory_space<vmem>>
      %dma_start3A_203 = tpu.memref_squeeze %dma_start3A_202 : memref<1x128x64xf32, #tpu.memory_space<vmem>> -> memref<128x64xf32, #tpu.memory_space<vmem>>
      %dma_start3A_204 = arith.constant 0 : i32
      %dma_start3A_205 = tpu.memref_slice %arg4[%add3A_198, %dma_start3A_204] : memref<204800x64xf32, #tpu.memory_space<hbm>> -> memref<128x64xf32, #tpu.memory_space<hbm>>
      %dma_start3A_206 = arith.constant 0 : i32
      %dma_start3A_207 = tpu.memref_slice %arg4[%add3A_198, %dma_start3A_206] : memref<204800x64xf32, #tpu.memory_space<hbm>> -> memref<128x64xf32, #tpu.memory_space<hbm>>
      %dma_start3A_208 = arith.constant 0 : i32
      %dma_start3A_209 = arith.constant 0 : i32
      %dma_start3A_210 = tpu.memref_slice %arg6[%dma_start3A_199, %dma_start3A_208, %dma_start3A_209] : memref<4x128x64xf32, #tpu.memory_space<vmem>> -> memref<1x128x64xf32, #tpu.memory_space<vmem>>
      %dma_start3A_211 = tpu.memref_squeeze %dma_start3A_210 : memref<1x128x64xf32, #tpu.memory_space<vmem>> -> memref<128x64xf32, #tpu.memory_space<vmem>>
      tpu.enqueue_dma source(%dma_start3A_211 : memref<128x64xf32, #tpu.memory_space<vmem>>) target(%dma_start3A_207 : memref<128x64xf32, #tpu.memory_space<hbm>>) target_semaphore(%arg12 : memref<!tpu.dma_semaphore, #tpu.memory_space<semaphore_mem>>)
      %sub3A = arith.constant 1 : i32
      %sub3A_212 = arith.subi %add3A_184, %sub3A : i32
      %mul3A_213 = arith.constant 128 : i32
      %mul3A_214 = arith.muli %sub3A_212, %mul3A_213 : i32
      %add3A_215 = arith.addi %mul3A_2, %mul3A_214 : i32
      %dma_wait3A_216 = arith.constant 0 : i32
      %dma_wait3A_217 = arith.constant 0 : i32
      %dma_wait3A_218 = arith.constant 0 : i32
      %dma_wait3A_219 = tpu.memref_slice %arg6[%dma_wait3A_216, %dma_wait3A_217, %dma_wait3A_218] : memref<4x128x64xf32, #tpu.memory_space<vmem>> -> memref<1x128x64xf32, #tpu.memory_space<vmem>>
      %dma_wait3A_220 = tpu.memref_squeeze %dma_wait3A_219 : memref<1x128x64xf32, #tpu.memory_space<vmem>> -> memref<128x64xf32, #tpu.memory_space<vmem>>
      %dma_wait3A_221 = arith.constant 0 : i32
      %dma_wait3A_222 = tpu.memref_slice %arg4[%add3A_215, %dma_wait3A_221] : memref<204800x64xf32, #tpu.memory_space<hbm>> -> memref<128x64xf32, #tpu.memory_space<hbm>>
      %dma_wait3A_223 = arith.constant 0 : i32
      %dma_wait3A_224 = tpu.memref_slice %arg4[%add3A_215, %dma_wait3A_223] : memref<204800x64xf32, #tpu.memory_space<hbm>> -> memref<128x64xf32, #tpu.memory_space<hbm>>
      %dma_wait3A_225 = arith.constant 0 : i32
      %dma_wait3A_226 = arith.constant 0 : i32
      %dma_wait3A_227 = tpu.memref_slice %arg6[%dma_wait3A_216, %dma_wait3A_225, %dma_wait3A_226] : memref<4x128x64xf32, #tpu.memory_space<vmem>> -> memref<1x128x64xf32, #tpu.memory_space<vmem>>
      %dma_wait3A_228 = tpu.memref_squeeze %dma_wait3A_227 : memref<1x128x64xf32, #tpu.memory_space<vmem>> -> memref<128x64xf32, #tpu.memory_space<vmem>>
      tpu.wait_dma2 semaphore(%arg11 : memref<!tpu.dma_semaphore, #tpu.memory_space<semaphore_mem>>) src(%dma_wait3A_228 : memref<128x64xf32, #tpu.memory_space<vmem>>) dst(%dma_wait3A_224 : memref<128x64xf32, #tpu.memory_space<hbm>>)
      %add3A_229 = arith.constant 3 : i32
      %add3A_230 = arith.addi %add3A_184, %add3A_229 : i32
      %lt3A_231 = arith.constant 50 : i32
      %lt3A_232 = arith.cmpi slt, %add3A_230, %lt3A_231 : i32
      %convert_element_type3A_233 = arith.extui %lt3A_232 : i1 to i32
      %cond3A_234 = arith.constant 0 : i32
      %cond3A_235 = arith.cmpi ne, %convert_element_type3A_233, %cond3A_234 : i32
      scf.if %cond3A_235 {
        %add3A_348 = arith.constant 3 : i32
        %add3A_349 = arith.addi %add3A_184, %add3A_348 : i32
        %dma_start3A_350 = arith.constant 0 : i32
        %dma_start3A_351 = arith.constant 0 : i32
        %dma_start3A_352 = arith.constant 0 : i32
        %dma_start3A_353 = tpu.memref_slice %arg6[%dma_start3A_350, %dma_start3A_351, %dma_start3A_352] : memref<4x128x64xf32, #tpu.memory_space<vmem>> -> memref<1x128x64xf32, #tpu.memory_space<vmem>>
        %dma_start3A_354 = tpu.memref_squeeze %dma_start3A_353 : memref<1x128x64xf32, #tpu.memory_space<vmem>> -> memref<128x64xf32, #tpu.memory_space<vmem>>
        %dma_start3A_355 = arith.constant 0 : i32
        %dma_start3A_356 = tpu.memref_slice %arg5[%add3A_349, %dma_start3A_355] : memref<50x128xi32, #tpu.memory_space<vmem>> -> memref<1x128xi32, #tpu.memory_space<vmem>>
        %dma_start3A_357 = tpu.memref_squeeze %dma_start3A_356 : memref<1x128xi32, #tpu.memory_space<vmem>> -> memref<128xi32, #tpu.memory_space<vmem>>
        %dma_start3A_358 = arith.constant 0 : i32
        %dma_start3A_359 = arith.constant 0 : i32
        %dma_start3A_360 = tpu.memref_slice %arg3[%dma_start3A_358, %dma_start3A_359] : memref<1000000x64xf32, #tpu.memory_space<hbm>> -> memref<1000000x64xf32, #tpu.memory_space<hbm>>
        tpu.enqueue_indirect_dma source(%dma_start3A_360 : memref<1000000x64xf32, #tpu.memory_space<hbm>>) target(%dma_start3A_354 : memref<128x64xf32, #tpu.memory_space<vmem>>) offsets(%dma_start3A_357 : memref<128xi32, #tpu.memory_space<vmem>>) semaphore(%arg7 : memref<!tpu.dma_semaphore, #tpu.memory_space<semaphore_mem>>)
      } else {
      }
      %mul3A_236 = arith.constant 4 : i32
      %mul3A_237 = arith.muli %mul3A_236, %scan3A_141 : i32
      %add3A_238 = arith.constant 2 : i32
      %add3A_239 = arith.addi %mul3A_237, %add3A_238 : i32
      %dma_wait3A_240 = arith.constant 2 : i32
      %dma_wait3A_241 = arith.constant 0 : i32
      %dma_wait3A_242 = arith.constant 0 : i32
      %dma_wait3A_243 = tpu.memref_slice %arg6[%dma_wait3A_240, %dma_wait3A_241, %dma_wait3A_242] : memref<4x128x64xf32, #tpu.memory_space<vmem>> -> memref<1x128x64xf32, #tpu.memory_space<vmem>>
      %dma_wait3A_244 = tpu.memref_squeeze %dma_wait3A_243 : memref<1x128x64xf32, #tpu.memory_space<vmem>> -> memref<128x64xf32, #tpu.memory_space<vmem>>
      %dma_wait3A_245 = arith.constant 0 : i32
      %dma_wait3A_246 = tpu.memref_slice %arg5[%add3A_239, %dma_wait3A_245] : memref<50x128xi32, #tpu.memory_space<vmem>> -> memref<1x128xi32, #tpu.memory_space<vmem>>
      %dma_wait3A_247 = tpu.memref_squeeze %dma_wait3A_246 : memref<1x128xi32, #tpu.memory_space<vmem>> -> memref<128xi32, #tpu.memory_space<vmem>>
      %dma_wait3A_248 = arith.constant 0 : i32
      %dma_wait3A_249 = arith.constant 0 : i32
      %dma_wait3A_250 = tpu.memref_slice %arg3[%dma_wait3A_248, %dma_wait3A_249] : memref<1000000x64xf32, #tpu.memory_space<hbm>> -> memref<1000000x64xf32, #tpu.memory_space<hbm>>
      tpu.wait_indirect_dma semaphore(%arg9 : memref<!tpu.dma_semaphore, #tpu.memory_space<semaphore_mem>>) src(%dma_wait3A_250 : memref<1000000x64xf32, #tpu.memory_space<hbm>>) dst(%dma_wait3A_244 : memref<128x64xf32, #tpu.memory_space<vmem>>)
      %mul3A_251 = arith.constant 128 : i32
      %mul3A_252 = arith.muli %add3A_239, %mul3A_251 : i32
      %add3A_253 = arith.addi %mul3A_2, %mul3A_252 : i32
      %dma_start3A_254 = arith.constant 2 : i32
      %dma_start3A_255 = arith.constant 0 : i32
      %dma_start3A_256 = arith.constant 0 : i32
      %dma_start3A_257 = tpu.memref_slice %arg6[%dma_start3A_254, %dma_start3A_255, %dma_start3A_256] : memref<4x128x64xf32, #tpu.memory_space<vmem>> -> memref<1x128x64xf32, #tpu.memory_space<vmem>>
      %dma_start3A_258 = tpu.memref_squeeze %dma_start3A_257 : memref<1x128x64xf32, #tpu.memory_space<vmem>> -> memref<128x64xf32, #tpu.memory_space<vmem>>
      %dma_start3A_259 = arith.constant 0 : i32
      %dma_start3A_260 = tpu.memref_slice %arg4[%add3A_253, %dma_start3A_259] : memref<204800x64xf32, #tpu.memory_space<hbm>> -> memref<128x64xf32, #tpu.memory_space<hbm>>
      %dma_start3A_261 = arith.constant 0 : i32
      %dma_start3A_262 = tpu.memref_slice %arg4[%add3A_253, %dma_start3A_261] : memref<204800x64xf32, #tpu.memory_space<hbm>> -> memref<128x64xf32, #tpu.memory_space<hbm>>
      %dma_start3A_263 = arith.constant 0 : i32
      %dma_start3A_264 = arith.constant 0 : i32
      %dma_start3A_265 = tpu.memref_slice %arg6[%dma_start3A_254, %dma_start3A_263, %dma_start3A_264] : memref<4x128x64xf32, #tpu.memory_space<vmem>> -> memref<1x128x64xf32, #tpu.memory_space<vmem>>
      %dma_start3A_266 = tpu.memref_squeeze %dma_start3A_265 : memref<1x128x64xf32, #tpu.memory_space<vmem>> -> memref<128x64xf32, #tpu.memory_space<vmem>>
      tpu.enqueue_dma source(%dma_start3A_266 : memref<128x64xf32, #tpu.memory_space<vmem>>) target(%dma_start3A_262 : memref<128x64xf32, #tpu.memory_space<hbm>>) target_semaphore(%arg13 : memref<!tpu.dma_semaphore, #tpu.memory_space<semaphore_mem>>)
      %sub3A_267 = arith.constant 1 : i32
      %sub3A_268 = arith.subi %add3A_239, %sub3A_267 : i32
      %mul3A_269 = arith.constant 128 : i32
      %mul3A_270 = arith.muli %sub3A_268, %mul3A_269 : i32
      %add3A_271 = arith.addi %mul3A_2, %mul3A_270 : i32
      %dma_wait3A_272 = arith.constant 1 : i32
      %dma_wait3A_273 = arith.constant 0 : i32
      %dma_wait3A_274 = arith.constant 0 : i32
      %dma_wait3A_275 = tpu.memref_slice %arg6[%dma_wait3A_272, %dma_wait3A_273, %dma_wait3A_274] : memref<4x128x64xf32, #tpu.memory_space<vmem>> -> memref<1x128x64xf32, #tpu.memory_space<vmem>>
      %dma_wait3A_276 = tpu.memref_squeeze %dma_wait3A_275 : memref<1x128x64xf32, #tpu.memory_space<vmem>> -> memref<128x64xf32, #tpu.memory_space<vmem>>
      %dma_wait3A_277 = arith.constant 0 : i32
      %dma_wait3A_278 = tpu.memref_slice %arg4[%add3A_271, %dma_wait3A_277] : memref<204800x64xf32, #tpu.memory_space<hbm>> -> memref<128x64xf32, #tpu.memory_space<hbm>>
      %dma_wait3A_279 = arith.constant 0 : i32
      %dma_wait3A_280 = tpu.memref_slice %arg4[%add3A_271, %dma_wait3A_279] : memref<204800x64xf32, #tpu.memory_space<hbm>> -> memref<128x64xf32, #tpu.memory_space<hbm>>
      %dma_wait3A_281 = arith.constant 0 : i32
      %dma_wait3A_282 = arith.constant 0 : i32
      %dma_wait3A_283 = tpu.memref_slice %arg6[%dma_wait3A_272, %dma_wait3A_281, %dma_wait3A_282] : memref<4x128x64xf32, #tpu.memory_space<vmem>> -> memref<1x128x64xf32, #tpu.memory_space<vmem>>
      %dma_wait3A_284 = tpu.memref_squeeze %dma_wait3A_283 : memref<1x128x64xf32, #tpu.memory_space<vmem>> -> memref<128x64xf32, #tpu.memory_space<vmem>>
      tpu.wait_dma2 semaphore(%arg12 : memref<!tpu.dma_semaphore, #tpu.memory_space<semaphore_mem>>) src(%dma_wait3A_284 : memref<128x64xf32, #tpu.memory_space<vmem>>) dst(%dma_wait3A_280 : memref<128x64xf32, #tpu.memory_space<hbm>>)
      %add3A_285 = arith.constant 3 : i32
      %add3A_286 = arith.addi %add3A_239, %add3A_285 : i32
      %lt3A_287 = arith.constant 50 : i32
      %lt3A_288 = arith.cmpi slt, %add3A_286, %lt3A_287 : i32
      %convert_element_type3A_289 = arith.extui %lt3A_288 : i1 to i32
      %cond3A_290 = arith.constant 0 : i32
      %cond3A_291 = arith.cmpi ne, %convert_element_type3A_289, %cond3A_290 : i32
      scf.if %cond3A_291 {
        %add3A_348 = arith.constant 3 : i32
        %add3A_349 = arith.addi %add3A_239, %add3A_348 : i32
        %dma_start3A_350 = arith.constant 1 : i32
        %dma_start3A_351 = arith.constant 0 : i32
        %dma_start3A_352 = arith.constant 0 : i32
        %dma_start3A_353 = tpu.memref_slice %arg6[%dma_start3A_350, %dma_start3A_351, %dma_start3A_352] : memref<4x128x64xf32, #tpu.memory_space<vmem>> -> memref<1x128x64xf32, #tpu.memory_space<vmem>>
        %dma_start3A_354 = tpu.memref_squeeze %dma_start3A_353 : memref<1x128x64xf32, #tpu.memory_space<vmem>> -> memref<128x64xf32, #tpu.memory_space<vmem>>
        %dma_start3A_355 = arith.constant 0 : i32
        %dma_start3A_356 = tpu.memref_slice %arg5[%add3A_349, %dma_start3A_355] : memref<50x128xi32, #tpu.memory_space<vmem>> -> memref<1x128xi32, #tpu.memory_space<vmem>>
        %dma_start3A_357 = tpu.memref_squeeze %dma_start3A_356 : memref<1x128xi32, #tpu.memory_space<vmem>> -> memref<128xi32, #tpu.memory_space<vmem>>
        %dma_start3A_358 = arith.constant 0 : i32
        %dma_start3A_359 = arith.constant 0 : i32
        %dma_start3A_360 = tpu.memref_slice %arg3[%dma_start3A_358, %dma_start3A_359] : memref<1000000x64xf32, #tpu.memory_space<hbm>> -> memref<1000000x64xf32, #tpu.memory_space<hbm>>
        tpu.enqueue_indirect_dma source(%dma_start3A_360 : memref<1000000x64xf32, #tpu.memory_space<hbm>>) target(%dma_start3A_354 : memref<128x64xf32, #tpu.memory_space<vmem>>) offsets(%dma_start3A_357 : memref<128xi32, #tpu.memory_space<vmem>>) semaphore(%arg8 : memref<!tpu.dma_semaphore, #tpu.memory_space<semaphore_mem>>)
      } else {
      }
      %mul3A_292 = arith.constant 4 : i32
      %mul3A_293 = arith.muli %mul3A_292, %scan3A_141 : i32
      %add3A_294 = arith.constant 3 : i32
      %add3A_295 = arith.addi %mul3A_293, %add3A_294 : i32
      %dma_wait3A_296 = arith.constant 3 : i32
      %dma_wait3A_297 = arith.constant 0 : i32
      %dma_wait3A_298 = arith.constant 0 : i32
      %dma_wait3A_299 = tpu.memref_slice %arg6[%dma_wait3A_296, %dma_wait3A_297, %dma_wait3A_298] : memref<4x128x64xf32, #tpu.memory_space<vmem>> -> memref<1x128x64xf32, #tpu.memory_space<vmem>>
      %dma_wait3A_300 = tpu.memref_squeeze %dma_wait3A_299 : memref<1x128x64xf32, #tpu.memory_space<vmem>> -> memref<128x64xf32, #tpu.memory_space<vmem>>
      %dma_wait3A_301 = arith.constant 0 : i32
      %dma_wait3A_302 = tpu.memref_slice %arg5[%add3A_295, %dma_wait3A_301] : memref<50x128xi32, #tpu.memory_space<vmem>> -> memref<1x128xi32, #tpu.memory_space<vmem>>
      %dma_wait3A_303 = tpu.memref_squeeze %dma_wait3A_302 : memref<1x128xi32, #tpu.memory_space<vmem>> -> memref<128xi32, #tpu.memory_space<vmem>>
      %dma_wait3A_304 = arith.constant 0 : i32
      %dma_wait3A_305 = arith.constant 0 : i32
      %dma_wait3A_306 = tpu.memref_slice %arg3[%dma_wait3A_304, %dma_wait3A_305] : memref<1000000x64xf32, #tpu.memory_space<hbm>> -> memref<1000000x64xf32, #tpu.memory_space<hbm>>
      tpu.wait_indirect_dma semaphore(%arg10 : memref<!tpu.dma_semaphore, #tpu.memory_space<semaphore_mem>>) src(%dma_wait3A_306 : memref<1000000x64xf32, #tpu.memory_space<hbm>>) dst(%dma_wait3A_300 : memref<128x64xf32, #tpu.memory_space<vmem>>)
      %mul3A_307 = arith.constant 128 : i32
      %mul3A_308 = arith.muli %add3A_295, %mul3A_307 : i32
      %add3A_309 = arith.addi %mul3A_2, %mul3A_308 : i32
      %dma_start3A_310 = arith.constant 3 : i32
      %dma_start3A_311 = arith.constant 0 : i32
      %dma_start3A_312 = arith.constant 0 : i32
      %dma_start3A_313 = tpu.memref_slice %arg6[%dma_start3A_310, %dma_start3A_311, %dma_start3A_312] : memref<4x128x64xf32, #tpu.memory_space<vmem>> -> memref<1x128x64xf32, #tpu.memory_space<vmem>>
      %dma_start3A_314 = tpu.memref_squeeze %dma_start3A_313 : memref<1x128x64xf32, #tpu.memory_space<vmem>> -> memref<128x64xf32, #tpu.memory_space<vmem>>
      %dma_start3A_315 = arith.constant 0 : i32
      %dma_start3A_316 = tpu.memref_slice %arg4[%add3A_309, %dma_start3A_315] : memref<204800x64xf32, #tpu.memory_space<hbm>> -> memref<128x64xf32, #tpu.memory_space<hbm>>
      %dma_start3A_317 = arith.constant 0 : i32
      %dma_start3A_318 = tpu.memref_slice %arg4[%add3A_309, %dma_start3A_317] : memref<204800x64xf32, #tpu.memory_space<hbm>> -> memref<128x64xf32, #tpu.memory_space<hbm>>
      %dma_start3A_319 = arith.constant 0 : i32
      %dma_start3A_320 = arith.constant 0 : i32
      %dma_start3A_321 = tpu.memref_slice %arg6[%dma_start3A_310, %dma_start3A_319, %dma_start3A_320] : memref<4x128x64xf32, #tpu.memory_space<vmem>> -> memref<1x128x64xf32, #tpu.memory_space<vmem>>
      %dma_start3A_322 = tpu.memref_squeeze %dma_start3A_321 : memref<1x128x64xf32, #tpu.memory_space<vmem>> -> memref<128x64xf32, #tpu.memory_space<vmem>>
      tpu.enqueue_dma source(%dma_start3A_322 : memref<128x64xf32, #tpu.memory_space<vmem>>) target(%dma_start3A_318 : memref<128x64xf32, #tpu.memory_space<hbm>>) target_semaphore(%arg14 : memref<!tpu.dma_semaphore, #tpu.memory_space<semaphore_mem>>)
      %sub3A_323 = arith.constant 1 : i32
      %sub3A_324 = arith.subi %add3A_295, %sub3A_323 : i32
      %mul3A_325 = arith.constant 128 : i32
      %mul3A_326 = arith.muli %sub3A_324, %mul3A_325 : i32
      %add3A_327 = arith.addi %mul3A_2, %mul3A_326 : i32
      %dma_wait3A_328 = arith.constant 2 : i32
      %dma_wait3A_329 = arith.constant 0 : i32
      %dma_wait3A_330 = arith.constant 0 : i32
      %dma_wait3A_331 = tpu.memref_slice %arg6[%dma_wait3A_328, %dma_wait3A_329, %dma_wait3A_330] : memref<4x128x64xf32, #tpu.memory_space<vmem>> -> memref<1x128x64xf32, #tpu.memory_space<vmem>>
      %dma_wait3A_332 = tpu.memref_squeeze %dma_wait3A_331 : memref<1x128x64xf32, #tpu.memory_space<vmem>> -> memref<128x64xf32, #tpu.memory_space<vmem>>
      %dma_wait3A_333 = arith.constant 0 : i32
      %dma_wait3A_334 = tpu.memref_slice %arg4[%add3A_327, %dma_wait3A_333] : memref<204800x64xf32, #tpu.memory_space<hbm>> -> memref<128x64xf32, #tpu.memory_space<hbm>>
      %dma_wait3A_335 = arith.constant 0 : i32
      %dma_wait3A_336 = tpu.memref_slice %arg4[%add3A_327, %dma_wait3A_335] : memref<204800x64xf32, #tpu.memory_space<hbm>> -> memref<128x64xf32, #tpu.memory_space<hbm>>
      %dma_wait3A_337 = arith.constant 0 : i32
      %dma_wait3A_338 = arith.constant 0 : i32
      %dma_wait3A_339 = tpu.memref_slice %arg6[%dma_wait3A_328, %dma_wait3A_337, %dma_wait3A_338] : memref<4x128x64xf32, #tpu.memory_space<vmem>> -> memref<1x128x64xf32, #tpu.memory_space<vmem>>
      %dma_wait3A_340 = tpu.memref_squeeze %dma_wait3A_339 : memref<1x128x64xf32, #tpu.memory_space<vmem>> -> memref<128x64xf32, #tpu.memory_space<vmem>>
      tpu.wait_dma2 semaphore(%arg13 : memref<!tpu.dma_semaphore, #tpu.memory_space<semaphore_mem>>) src(%dma_wait3A_340 : memref<128x64xf32, #tpu.memory_space<vmem>>) dst(%dma_wait3A_336 : memref<128x64xf32, #tpu.memory_space<hbm>>)
      %add3A_341 = arith.constant 3 : i32
      %add3A_342 = arith.addi %add3A_295, %add3A_341 : i32
      %lt3A_343 = arith.constant 50 : i32
      %lt3A_344 = arith.cmpi slt, %add3A_342, %lt3A_343 : i32
      %convert_element_type3A_345 = arith.extui %lt3A_344 : i1 to i32
      %cond3A_346 = arith.constant 0 : i32
      %cond3A_347 = arith.cmpi ne, %convert_element_type3A_345, %cond3A_346 : i32
      scf.if %cond3A_347 {
        %add3A_348 = arith.constant 3 : i32
        %add3A_349 = arith.addi %add3A_295, %add3A_348 : i32
        %dma_start3A_350 = arith.constant 2 : i32
        %dma_start3A_351 = arith.constant 0 : i32
        %dma_start3A_352 = arith.constant 0 : i32
        %dma_start3A_353 = tpu.memref_slice %arg6[%dma_start3A_350, %dma_start3A_351, %dma_start3A_352] : memref<4x128x64xf32, #tpu.memory_space<vmem>> -> memref<1x128x64xf32, #tpu.memory_space<vmem>>
        %dma_start3A_354 = tpu.memref_squeeze %dma_start3A_353 : memref<1x128x64xf32, #tpu.memory_space<vmem>> -> memref<128x64xf32, #tpu.memory_space<vmem>>
        %dma_start3A_355 = arith.constant 0 : i32
        %dma_start3A_356 = tpu.memref_slice %arg5[%add3A_349, %dma_start3A_355] : memref<50x128xi32, #tpu.memory_space<vmem>> -> memref<1x128xi32, #tpu.memory_space<vmem>>
        %dma_start3A_357 = tpu.memref_squeeze %dma_start3A_356 : memref<1x128xi32, #tpu.memory_space<vmem>> -> memref<128xi32, #tpu.memory_space<vmem>>
        %dma_start3A_358 = arith.constant 0 : i32
        %dma_start3A_359 = arith.constant 0 : i32
        %dma_start3A_360 = tpu.memref_slice %arg3[%dma_start3A_358, %dma_start3A_359] : memref<1000000x64xf32, #tpu.memory_space<hbm>> -> memref<1000000x64xf32, #tpu.memory_space<hbm>>
        tpu.enqueue_indirect_dma source(%dma_start3A_360 : memref<1000000x64xf32, #tpu.memory_space<hbm>>) target(%dma_start3A_354 : memref<128x64xf32, #tpu.memory_space<vmem>>) offsets(%dma_start3A_357 : memref<128xi32, #tpu.memory_space<vmem>>) semaphore(%arg9 : memref<!tpu.dma_semaphore, #tpu.memory_space<semaphore_mem>>)
      } else {
      }
    }
    %scan3A_42 = arith.constant 12 : i32
    %dma_wait3A = arith.constant 48 : i32
    %dma_wait3A_43 = arith.constant 0 : i32
    %dma_wait3A_44 = arith.constant 0 : i32
    %dma_wait3A_45 = arith.constant 0 : i32
    %dma_wait3A_46 = tpu.memref_slice %arg6[%dma_wait3A_43, %dma_wait3A_44, %dma_wait3A_45] : memref<4x128x64xf32, #tpu.memory_space<vmem>> -> memref<1x128x64xf32, #tpu.memory_space<vmem>>
    %dma_wait3A_47 = tpu.memref_squeeze %dma_wait3A_46 : memref<1x128x64xf32, #tpu.memory_space<vmem>> -> memref<128x64xf32, #tpu.memory_space<vmem>>
    %dma_wait3A_48 = arith.constant 0 : i32
    %dma_wait3A_49 = tpu.memref_slice %arg5[%dma_wait3A, %dma_wait3A_48] : memref<50x128xi32, #tpu.memory_space<vmem>> -> memref<1x128xi32, #tpu.memory_space<vmem>>
    %dma_wait3A_50 = tpu.memref_squeeze %dma_wait3A_49 : memref<1x128xi32, #tpu.memory_space<vmem>> -> memref<128xi32, #tpu.memory_space<vmem>>
    %dma_wait3A_51 = arith.constant 0 : i32
    %dma_wait3A_52 = arith.constant 0 : i32
    %dma_wait3A_53 = tpu.memref_slice %arg3[%dma_wait3A_51, %dma_wait3A_52] : memref<1000000x64xf32, #tpu.memory_space<hbm>> -> memref<1000000x64xf32, #tpu.memory_space<hbm>>
    tpu.wait_indirect_dma semaphore(%arg7 : memref<!tpu.dma_semaphore, #tpu.memory_space<semaphore_mem>>) src(%dma_wait3A_53 : memref<1000000x64xf32, #tpu.memory_space<hbm>>) dst(%dma_wait3A_47 : memref<128x64xf32, #tpu.memory_space<vmem>>)
    %add3A_54 = arith.constant 6144 : i32
    %add3A_55 = arith.addi %mul3A_2, %add3A_54 : i32
    %dma_start3A_56 = arith.constant 0 : i32
    %dma_start3A_57 = arith.constant 0 : i32
    %dma_start3A_58 = arith.constant 0 : i32
    %dma_start3A_59 = tpu.memref_slice %arg6[%dma_start3A_56, %dma_start3A_57, %dma_start3A_58] : memref<4x128x64xf32, #tpu.memory_space<vmem>> -> memref<1x128x64xf32, #tpu.memory_space<vmem>>
    %dma_start3A_60 = tpu.memref_squeeze %dma_start3A_59 : memref<1x128x64xf32, #tpu.memory_space<vmem>> -> memref<128x64xf32, #tpu.memory_space<vmem>>
    %dma_start3A_61 = arith.constant 0 : i32
    %dma_start3A_62 = tpu.memref_slice %arg4[%add3A_55, %dma_start3A_61] : memref<204800x64xf32, #tpu.memory_space<hbm>> -> memref<128x64xf32, #tpu.memory_space<hbm>>
    %dma_start3A_63 = arith.constant 0 : i32
    %dma_start3A_64 = tpu.memref_slice %arg4[%add3A_55, %dma_start3A_63] : memref<204800x64xf32, #tpu.memory_space<hbm>> -> memref<128x64xf32, #tpu.memory_space<hbm>>
    %dma_start3A_65 = arith.constant 0 : i32
    %dma_start3A_66 = arith.constant 0 : i32
    %dma_start3A_67 = tpu.memref_slice %arg6[%dma_start3A_56, %dma_start3A_65, %dma_start3A_66] : memref<4x128x64xf32, #tpu.memory_space<vmem>> -> memref<1x128x64xf32, #tpu.memory_space<vmem>>
    %dma_start3A_68 = tpu.memref_squeeze %dma_start3A_67 : memref<1x128x64xf32, #tpu.memory_space<vmem>> -> memref<128x64xf32, #tpu.memory_space<vmem>>
    tpu.enqueue_dma source(%dma_start3A_68 : memref<128x64xf32, #tpu.memory_space<vmem>>) target(%dma_start3A_64 : memref<128x64xf32, #tpu.memory_space<hbm>>) target_semaphore(%arg11 : memref<!tpu.dma_semaphore, #tpu.memory_space<semaphore_mem>>)
    %add3A_69 = arith.constant 6016 : i32
    %add3A_70 = arith.addi %mul3A_2, %add3A_69 : i32
    %dma_wait3A_71 = arith.constant 3 : i32
    %dma_wait3A_72 = arith.constant 0 : i32
    %dma_wait3A_73 = arith.constant 0 : i32
    %dma_wait3A_74 = tpu.memref_slice %arg6[%dma_wait3A_71, %dma_wait3A_72, %dma_wait3A_73] : memref<4x128x64xf32, #tpu.memory_space<vmem>> -> memref<1x128x64xf32, #tpu.memory_space<vmem>>
    %dma_wait3A_75 = tpu.memref_squeeze %dma_wait3A_74 : memref<1x128x64xf32, #tpu.memory_space<vmem>> -> memref<128x64xf32, #tpu.memory_space<vmem>>
    %dma_wait3A_76 = arith.constant 0 : i32
    %dma_wait3A_77 = tpu.memref_slice %arg4[%add3A_70, %dma_wait3A_76] : memref<204800x64xf32, #tpu.memory_space<hbm>> -> memref<128x64xf32, #tpu.memory_space<hbm>>
    %dma_wait3A_78 = arith.constant 0 : i32
    %dma_wait3A_79 = tpu.memref_slice %arg4[%add3A_70, %dma_wait3A_78] : memref<204800x64xf32, #tpu.memory_space<hbm>> -> memref<128x64xf32, #tpu.memory_space<hbm>>
    %dma_wait3A_80 = arith.constant 0 : i32
    %dma_wait3A_81 = arith.constant 0 : i32
    %dma_wait3A_82 = tpu.memref_slice %arg6[%dma_wait3A_71, %dma_wait3A_80, %dma_wait3A_81] : memref<4x128x64xf32, #tpu.memory_space<vmem>> -> memref<1x128x64xf32, #tpu.memory_space<vmem>>
    %dma_wait3A_83 = tpu.memref_squeeze %dma_wait3A_82 : memref<1x128x64xf32, #tpu.memory_space<vmem>> -> memref<128x64xf32, #tpu.memory_space<vmem>>
    tpu.wait_dma2 semaphore(%arg14 : memref<!tpu.dma_semaphore, #tpu.memory_space<semaphore_mem>>) src(%dma_wait3A_83 : memref<128x64xf32, #tpu.memory_space<vmem>>) dst(%dma_wait3A_79 : memref<128x64xf32, #tpu.memory_space<hbm>>)
    %dma_wait3A_84 = arith.constant 49 : i32
    %dma_wait3A_85 = arith.constant 1 : i32
    %dma_wait3A_86 = arith.constant 0 : i32
    %dma_wait3A_87 = arith.constant 0 : i32
    %dma_wait3A_88 = tpu.memref_slice %arg6[%dma_wait3A_85, %dma_wait3A_86, %dma_wait3A_87] : memref<4x128x64xf32, #tpu.memory_space<vmem>> -> memref<1x128x64xf32, #tpu.memory_space<vmem>>
    %dma_wait3A_89 = tpu.memref_squeeze %dma_wait3A_88 : memref<1x128x64xf32, #tpu.memory_space<vmem>> -> memref<128x64xf32, #tpu.memory_space<vmem>>
    %dma_wait3A_90 = arith.constant 0 : i32
    %dma_wait3A_91 = tpu.memref_slice %arg5[%dma_wait3A_84, %dma_wait3A_90] : memref<50x128xi32, #tpu.memory_space<vmem>> -> memref<1x128xi32, #tpu.memory_space<vmem>>
    %dma_wait3A_92 = tpu.memref_squeeze %dma_wait3A_91 : memref<1x128xi32, #tpu.memory_space<vmem>> -> memref<128xi32, #tpu.memory_space<vmem>>
    %dma_wait3A_93 = arith.constant 0 : i32
    %dma_wait3A_94 = arith.constant 0 : i32
    %dma_wait3A_95 = tpu.memref_slice %arg3[%dma_wait3A_93, %dma_wait3A_94] : memref<1000000x64xf32, #tpu.memory_space<hbm>> -> memref<1000000x64xf32, #tpu.memory_space<hbm>>
    tpu.wait_indirect_dma semaphore(%arg8 : memref<!tpu.dma_semaphore, #tpu.memory_space<semaphore_mem>>) src(%dma_wait3A_95 : memref<1000000x64xf32, #tpu.memory_space<hbm>>) dst(%dma_wait3A_89 : memref<128x64xf32, #tpu.memory_space<vmem>>)
    %add3A_96 = arith.constant 6272 : i32
    %add3A_97 = arith.addi %mul3A_2, %add3A_96 : i32
    %dma_start3A_98 = arith.constant 1 : i32
    %dma_start3A_99 = arith.constant 0 : i32
    %dma_start3A_100 = arith.constant 0 : i32
    %dma_start3A_101 = tpu.memref_slice %arg6[%dma_start3A_98, %dma_start3A_99, %dma_start3A_100] : memref<4x128x64xf32, #tpu.memory_space<vmem>> -> memref<1x128x64xf32, #tpu.memory_space<vmem>>
    %dma_start3A_102 = tpu.memref_squeeze %dma_start3A_101 : memref<1x128x64xf32, #tpu.memory_space<vmem>> -> memref<128x64xf32, #tpu.memory_space<vmem>>
    %dma_start3A_103 = arith.constant 0 : i32
    %dma_start3A_104 = tpu.memref_slice %arg4[%add3A_97, %dma_start3A_103] : memref<204800x64xf32, #tpu.memory_space<hbm>> -> memref<128x64xf32, #tpu.memory_space<hbm>>
    %dma_start3A_105 = arith.constant 0 : i32
    %dma_start3A_106 = tpu.memref_slice %arg4[%add3A_97, %dma_start3A_105] : memref<204800x64xf32, #tpu.memory_space<hbm>> -> memref<128x64xf32, #tpu.memory_space<hbm>>
    %dma_start3A_107 = arith.constant 0 : i32
    %dma_start3A_108 = arith.constant 0 : i32
    %dma_start3A_109 = tpu.memref_slice %arg6[%dma_start3A_98, %dma_start3A_107, %dma_start3A_108] : memref<4x128x64xf32, #tpu.memory_space<vmem>> -> memref<1x128x64xf32, #tpu.memory_space<vmem>>
    %dma_start3A_110 = tpu.memref_squeeze %dma_start3A_109 : memref<1x128x64xf32, #tpu.memory_space<vmem>> -> memref<128x64xf32, #tpu.memory_space<vmem>>
    tpu.enqueue_dma source(%dma_start3A_110 : memref<128x64xf32, #tpu.memory_space<vmem>>) target(%dma_start3A_106 : memref<128x64xf32, #tpu.memory_space<hbm>>) target_semaphore(%arg12 : memref<!tpu.dma_semaphore, #tpu.memory_space<semaphore_mem>>)
    %add3A_111 = arith.constant 6144 : i32
    %add3A_112 = arith.addi %mul3A_2, %add3A_111 : i32
    %dma_wait3A_113 = arith.constant 0 : i32
    %dma_wait3A_114 = arith.constant 0 : i32
    %dma_wait3A_115 = arith.constant 0 : i32
    %dma_wait3A_116 = tpu.memref_slice %arg6[%dma_wait3A_113, %dma_wait3A_114, %dma_wait3A_115] : memref<4x128x64xf32, #tpu.memory_space<vmem>> -> memref<1x128x64xf32, #tpu.memory_space<vmem>>
    %dma_wait3A_117 = tpu.memref_squeeze %dma_wait3A_116 : memref<1x128x64xf32, #tpu.memory_space<vmem>> -> memref<128x64xf32, #tpu.memory_space<vmem>>
    %dma_wait3A_118 = arith.constant 0 : i32
    %dma_wait3A_119 = tpu.memref_slice %arg4[%add3A_112, %dma_wait3A_118] : memref<204800x64xf32, #tpu.memory_space<hbm>> -> memref<128x64xf32, #tpu.memory_space<hbm>>
    %dma_wait3A_120 = arith.constant 0 : i32
    %dma_wait3A_121 = tpu.memref_slice %arg4[%add3A_112, %dma_wait3A_120] : memref<204800x64xf32, #tpu.memory_space<hbm>> -> memref<128x64xf32, #tpu.memory_space<hbm>>
    %dma_wait3A_122 = arith.constant 0 : i32
    %dma_wait3A_123 = arith.constant 0 : i32
    %dma_wait3A_124 = tpu.memref_slice %arg6[%dma_wait3A_113, %dma_wait3A_122, %dma_wait3A_123] : memref<4x128x64xf32, #tpu.memory_space<vmem>> -> memref<1x128x64xf32, #tpu.memory_space<vmem>>
    %dma_wait3A_125 = tpu.memref_squeeze %dma_wait3A_124 : memref<1x128x64xf32, #tpu.memory_space<vmem>> -> memref<128x64xf32, #tpu.memory_space<vmem>>
    tpu.wait_dma2 semaphore(%arg11 : memref<!tpu.dma_semaphore, #tpu.memory_space<semaphore_mem>>) src(%dma_wait3A_125 : memref<128x64xf32, #tpu.memory_space<vmem>>) dst(%dma_wait3A_121 : memref<128x64xf32, #tpu.memory_space<hbm>>)
    %add3A_126 = arith.constant 6272 : i32
    %add3A_127 = arith.addi %mul3A_2, %add3A_126 : i32
    %dma_wait3A_128 = arith.constant 1 : i32
    %dma_wait3A_129 = arith.constant 0 : i32
    %dma_wait3A_130 = arith.constant 0 : i32
    %dma_wait3A_131 = tpu.memref_slice %arg6[%dma_wait3A_128, %dma_wait3A_129, %dma_wait3A_130] : memref<4x128x64xf32, #tpu.memory_space<vmem>> -> memref<1x128x64xf32, #tpu.memory_space<vmem>>
    %dma_wait3A_132 = tpu.memref_squeeze %dma_wait3A_131 : memref<1x128x64xf32, #tpu.memory_space<vmem>> -> memref<128x64xf32, #tpu.memory_space<vmem>>
    %dma_wait3A_133 = arith.constant 0 : i32
    %dma_wait3A_134 = tpu.memref_slice %arg4[%add3A_127, %dma_wait3A_133] : memref<204800x64xf32, #tpu.memory_space<hbm>> -> memref<128x64xf32, #tpu.memory_space<hbm>>
    %dma_wait3A_135 = arith.constant 0 : i32
    %dma_wait3A_136 = tpu.memref_slice %arg4[%add3A_127, %dma_wait3A_135] : memref<204800x64xf32, #tpu.memory_space<hbm>> -> memref<128x64xf32, #tpu.memory_space<hbm>>
    %dma_wait3A_137 = arith.constant 0 : i32
    %dma_wait3A_138 = arith.constant 0 : i32
    %dma_wait3A_139 = tpu.memref_slice %arg6[%dma_wait3A_128, %dma_wait3A_137, %dma_wait3A_138] : memref<4x128x64xf32, #tpu.memory_space<vmem>> -> memref<1x128x64xf32, #tpu.memory_space<vmem>>
    %dma_wait3A_140 = tpu.memref_squeeze %dma_wait3A_139 : memref<1x128x64xf32, #tpu.memory_space<vmem>> -> memref<128x64xf32, #tpu.memory_space<vmem>>
    tpu.wait_dma2 semaphore(%arg12 : memref<!tpu.dma_semaphore, #tpu.memory_space<semaphore_mem>>) src(%dma_wait3A_140 : memref<128x64xf32, #tpu.memory_space<vmem>>) dst(%dma_wait3A_136 : memref<128x64xf32, #tpu.memory_space<hbm>>)
    return
  }
}

</mosaic_0001>

<sc_bundles>
// kernel: kernel.3.cloned.1.call-start
scs
__scs_entry_jumppad:
0x0: {  	(pc) =	sbr.rel $0x88, $3  }
0x1: {  	(tag) =	ssettag $0x0;
	lr =	simm.s32 $0x1  }
0x2: {  	[smem:$0x3F9F] =	sst lr;
	_ =	strace $0xD0000000  }
0x3: {  	_ = 	snop  }
0x4: {  	_ = 	snop  }
0x5: {  	_ = 	snop  }
0x6: {  	_ = 	snop  }
0x7: {  	_ = 	snop  }
__scs_overlays_trampoline_lowered:
0x8: {  	[smem:$0x3FAE] =	sst s0  }
0x9: {  	[smem:$0x3FAF] =	sst s1  }
0xa: {  	[smem:$0x3FB0] =	sst s2  }
0xb: {  	[smem:$0x3FB1] =	sst s3  }
0xc: {  	[smem:$0x3FB2] =	sst s4  }
0xd: {  	[smem:$0x3FB3] =	sst s5  }
0xe: {  	[smem:$0x3FB4] =	sst s6  }
0xf: {  	[smem:$0x3FB5] =	sst s7  }
0x10: {  	[smem:$0x3FB6] =	sst s8  }
0x11: {  	[smem:$0x3FB7] =	sst s9;
	s0 =	simm.s32 @!p0 $0x0  }
0x12: {  	s1 =	sld [smem:$0x3F9D];
	s0 =	simm.s32 @p0 $0x1  }
0x13: {  	[smem:$0x3FB8] =	sst s0;
	s0 =	simm.s32 @!p1 $0x0  }
0x14: {  	s2 =	sld [smem:$0x3F9C];
	s0 =	simm.s32 @p1 $0x1  }
0x15: {  	[smem:$0x3FB9] =	sst s0;
	s0 =	simm.s32 @!p2 $0x0  }
0x16: {  	s3 =	sld [smem:$0x3FDB];
	s0 =	simm.s32 @p2 $0x1  }
0x17: {  	s4 =	simm.s32 $0x1BF5;
	[smem:$0x3FBB] =	sst s0  }
0x18: {  	s0 =	sld [smem:$0x3F9E];
	_ =	swait.ge [sflag:s4], $0x0  }
0x19: {  	s7 =	sld [smem:$0x3F9F]  }
0x1a: {  	s8 =	sadd.s32 $0xFFFFE003, lr  }
0x1b: {  	s9 =	sadd.s32 $0xFFFFFEF7, lr;
	s5 =	simm.s32 $0xFFFFFFFF;
	p2 =	slt.u32 s8, $0xFFFFF086  }
0x1c: {  	p1 =	slt.u32 s9, $0xF7A;
	s5 =	simm.s32 @!p2 $0x0  }
0x1d: {  	s5 =	simm.s32 @p1 $0x1;
	p0 =	seq.s32 s7, s2  }
0x1e: {  	s7 =	smul.u32 @!p0 $0xF7A, s2;
	p2 =	seq.s32 @!p0 s5, $0x0  }
0x1f: {  	s9 =	smul.u32 $0xF7A, s1;
	s8 =	simm.s32 @!p0 $0x1BF5;
	p2 =	por !p2, p0  }
0x20: {  	[sflag:s8] =	ssyncset.s32 @!p0 $0xFFFFF086;
	s6 =	sadd.s32 @!p0 s3, s7;
	s7 =	simm.s32 @!p0 $0x108  }
0x21: {  	s3 =	sadd.s32 s3, s9;
	s6 =	sadd.s32 @!p0 $0x88, s6;
	s7 =	simm.s32 @p2 $0x1082  }
0x22: {  	[simem:s7], [sflag:s8] =	dma.local @!p0 [hbm:s6], $0xF7A  }
0x23: {  	s9 =	sor.u32 $0xD0000000, s2;
	s6 =	simm.s32 $0x108;
	_ =	swait.ge @!p0 [sflag:s8], $0x0  }
0x24: {  	s3 =	sadd.s32 $0x88, s3;
	s6 =	simm.s32 @!p1 $0x1082;
	[sflag:s4] =	ssyncset.s32 $0xFFFFF086  }
0x25: {  	[simem:s6], [sflag:s4] =	dma.local [hbm:s3], $0xF7A  }
0x26: {  	[smem:$0x3F9F] =	sst s1;
	(tag) =	ssettag s2;
	_ =	strace s9  }
0x27: {  	s1 =	sld [smem:$0x3FAF]  }
0x28: {  	s2 =	sld [smem:$0x3FB0]  }
0x29: {  	s4 =	sld [smem:$0x3FB2]  }
0x2a: {  	p0 =	seq.s32 s5, $0x0;
	s5 =	sld [smem:$0x3FB3]  }
0x2b: {  	s6 =	sld [smem:$0x3FB4]  }
0x2c: {  	s7 =	sld [smem:$0x3FB5]  }
0x2d: {  	s3 =	simm.s32 $0x108;
	s8 =	sld [smem:$0x3FB6]  }
0x2e: {  	s3 =	simm.s32 @!p0 $0x1082;
	s9 =	sld [smem:$0x3FB7]  }
0x2f: {  	lr =	sadd.s32 s0, s3;
	s0 =	sld [smem:$0x3FAE]  }
0x30: {  	s3 =	sld [smem:$0x3FB1]  }
0x31: {  	[smem:$0x3FBA] =	sst s10  }
0x32: {  	s10 =	sld [smem:$0x3FB8];
	_ =	sdelay $0x3  }
0x33: {  	p0 =	seq.s32 s10, $0x1;
	s10 =	sld [smem:$0x3FBA];
	_ =	sdelay $0x3  }
0x34: {  	[smem:$0x3FBA] =	sst s10  }
0x35: {  	s10 =	sld [smem:$0x3FB9];
	_ =	sdelay $0x3  }
0x36: {  	p1 =	seq.s32 s10, $0x1;
	s10 =	sld [smem:$0x3FBA];
	_ =	sdelay $0x3  }
0x37: {  	[smem:$0x3FBA] =	sst s10  }
0x38: {  	s10 =	sld [smem:$0x3FBB]  }
0x39: {  	_ = 	snop;
	(pc) =	sbr.ind lr, $3  }
0x3a: {  	_ = 	snop  }
0x3b: {  	_ = 	snop  }
0x3c: {  	p2 =	seq.s32 s10, $0x1;
	s10 =	sld [smem:$0x3FBA]  }
0x3d: {  	_ =	shalt  }
0x3e: {  	_ =	shalt  }
0x3f: {  	_ =	shalt  }
0x40: {  	_ =	shalt  }
0x41: {  	_ =	shalt  }
0x42: {  	_ =	shalt  }
0x43: {  	_ =	shalt  }
0x44: {  	_ =	shalt  }
0x45: {  	_ =	shalt  }
0x46: {  	_ =	shalt  }
0x47: {  	_ =	shalt  }
0x48: {  	_ =	shalt  }
0x49: {  	_ =	shalt  }
0x4a: {  	_ =	shalt  }
0x4b: {  	_ =	shalt  }
0x4c: {  	_ =	shalt  }
0x4d: {  	_ =	shalt  }
0x4e: {  	_ =	shalt  }
0x4f: {  	_ =	shalt  }
0x50: {  	_ =	shalt  }
0x51: {  	_ =	shalt  }
0x52: {  	_ =	shalt  }
0x53: {  	_ =	shalt  }
0x54: {  	_ =	shalt  }
0x55: {  	_ =	shalt  }
0x56: {  	_ =	shalt  }
0x57: {  	_ =	shalt  }
0x58: {  	_ =	shalt  }
0x59: {  	_ =	shalt  }
0x5a: {  	_ =	shalt  }
0x5b: {  	_ =	shalt  }
0x5c: {  	_ =	shalt  }
0x5d: {  	_ =	shalt  }
0x5e: {  	_ =	shalt  }
0x5f: {  	_ =	shalt  }
0x60: {  	_ =	shalt  }
0x61: {  	_ =	shalt  }
0x62: {  	_ =	shalt  }
0x63: {  	_ =	shalt  }
0x64: {  	_ =	shalt  }
0x65: {  	_ =	shalt  }
0x66: {  	_ =	shalt  }
0x67: {  	_ =	shalt  }
0x68: {  	_ =	shalt  }
0x69: {  	_ =	shalt  }
0x6a: {  	_ =	shalt  }
0x6b: {  	_ =	shalt  }
0x6c: {  	_ =	shalt  }
0x6d: {  	_ =	shalt  }
0x6e: {  	_ =	shalt  }
0x6f: {  	_ =	shalt  }
0x70: {  	_ =	shalt  }
0x71: {  	_ =	shalt  }
0x72: {  	_ =	shalt  }
0x73: {  	_ =	shalt  }
0x74: {  	_ =	shalt  }
0x75: {  	_ =	shalt  }
0x76: {  	_ =	shalt  }
0x77: {  	_ =	shalt  }
0x78: {  	_ =	shalt  }
0x79: {  	_ =	shalt  }
0x7a: {  	_ =	shalt  }
0x7b: {  	_ =	shalt  }
0x7c: {  	_ =	shalt  }
0x7d: {  	_ =	shalt  }
0x7e: {  	_ =	shalt  }
0x7f: {  	_ =	shalt  }
0x80: {  	_ =	shalt  }
0x81: {  	_ =	shalt  }
0x82: {  	_ =	shalt  }
0x83: {  	_ =	shalt  }
0x84: {  	_ =	shalt  }
0x85: {  	_ =	shalt  }
0x86: {  	_ =	shalt  }
0x87: {  	_ =	shalt  }
.Lfunc_end0:
.L_simem_size_0:
called_computation.1_lowered:
.L_overlay_start_0:
0x88: {  	s2 =	sld [smem:$0x3FD9]  }
0x89: {  	s3 =	sld [smem:$0x3FFE];
	_ =	sdelay $0x1  }
0x8a: {  	s1 =	srdreg.scid  }
0x8b: {  	s0 =	sand.u32 $0x1, s1  }
0x8c: {  	s17 =	sshll.u32 s0, $0xA;
	s2 =	sadd.s32 s3, s2  }
0x8d: {  	s2 =	sadd.s32 s2, s17  }
0x8e: {  	[smem:$0x3FC6] =	sst s2  }
0x8f: {  	_ = 	snop  }
0x90: {  	s2 =	sld [smem:$0x3FD0];
	(tm) =	ssettm $0x1  }
0x91: {  	s18 =	sld [smem:$0x3FFB];
	_ =	sdelay $0x3  }
0x92: {  	_ =	strace s18  }
0x93: {  	s3 =	sld [smem:$0x3FFC];
	_ =	sdelay $0x3  }
0x94: {  	_ =	strace s3  }
0x95: {  	s3 =	sld [smem:$0x3FFD];
	_ =	sdelay $0x3  }
0x96: {  	_ =	strace s3  }
0x97: {  	_ =	strace $0x8FFFFFFF  }
0x98: {  	s19 =	sld [smem:$0x3FDB];
	_ =	sdelay $0x1  }
0x99: {  	s4 =	simm.s32 $_scs_section_size  }
0x9a: {  	s5 =	simm.s32 $_size__tile_overlayer_lowered;
	s6 =	simm.s32 $_tile_overlayer_lowered  }
0x9b: {  	s22 =	simm.s32 $0x1BFF;
	s21 =	sshll.u32 s6, $0x1;
	s3 =	sadd.s32 s4, s19  }
0x9c: {  	s7 =	simm.s32 $0x0;
	s20 =	sshll.u32 s5, $0x1;
	s5 =	sadd.s32 s21, s3  }
0x9d: {  	[timem:s7], [sflag:s22] =	dma.local [hbm:s5], s20  }
0x9e: {  	_ =	swait.ge [sflag:s22], s20  }
0x9f: {  	s4 =	ssub.s32 $0x0, s20;
	[sflag:s22] =	ssyncset.done $0x0  }
0xa0: {  	[sflag:s22] =	ssyncadd.s32 s4;
	_ =	sdelay $0x1  }
0xa1: {  	s23 =	simm.s32 $0x1B8B  }
0xa2: {  	_ =	swait.ge [sflag:s23], $0x1  }
0xa3: {  	[sflag:s23] =	ssyncset.done $0x0  }
0xa4: {  	s25 =	simm.s32 $0x1B8E;
	s24 =	sld [smem:$0x3FFE];
	[sflag:s23] =	ssyncadd.s32 $0xFFFFFFFF  }
0xa5: {  	s26 =	simm.s32 $execute0_lowered;
	[smem:$0x3FD2] =	sst s25  }
0xa6: {  	s5 =	sshll.u32 s26, $0x1;
	_ =	strace $0x80000046;
	[dreg:$0x1] =	wrdreg $0xFFFFFFFF  }
0xa7: {  	s28 =	simm.s32 $_size_execute0_lowered;
	s3 =	sadd.s32 s3, s5;
	[dreg:$0x0] =	wrdreg $0x0  }
0xa8: {  	s5 =	sshll.u32 s28, $0x1;
	[dreg:$0x2] =	wrdreg s3  }
0xa9: {  	[dreg:$0x3] =	wrdreg s5  }
0xaa: {  	[dreg:$0x4] =	wrdreg $0xC0  }
0xab: {  	_ =	task [dreg:s7], $0x5FFFF  }
0xac: {  	[dreg:$0x1] =	wrdreg $0xFFFFFFFF  }
0xad: {  	[dreg:$0x0] =	wrdreg $0x60  }
0xae: {  	[dreg:$0x2] =	wrdreg s24  }
0xaf: {  	[dreg:$0x3] =	wrdreg s2  }
0xb0: {  	[dreg:$0x4] =	wrdreg $0x9  }
0xb1: {  	_ =	task.clear_ibuf [dreg:s7], $0x5FFFF;
	_ =	strace $0x90000046  }
0xb2: {  	s29 =	simm.s32 $0x9;
	_ =	strace $0x80000048  }
0xb3: {  	_ =	swait.ge [sflag:s29], $0x1  }
0xb4: {  	[sflag:s29] =	ssyncadd.s32 $0xFFFFFFFF  }
0xb5: {  	_ =	strace $0x90000048  }
0xb6: {  	_ =	sfence  }
0xb7: {  	s30 =	sld [smem:$0x0];
	_ =	sdelay $0x2  }
0xb8: {  	s31 =	sshll.u32 s1, $0xD;
	s1 =	sshrl.u32 s1, $0x2  }
0xb9: {  	s3 =	sand.u32 $0x4000, s31;
	s1 =	sadd.s32 s1, s30  }
0xba: {  	s0 =	sor.u32 s3, s0;
	s1 =	sshll.u32 s1, $0x11  }
0xbb: {  	s0 =	sor.u32 s1, s0  }
0xbc: {  	s0 =	sadd.s32 $0x8F2B, s0  }
0xbd: {  	[sflag:s0] =	ssyncadd.remote.s32 $0x1  }
0xbe: {  	_ =	sfence.sel $0xFFFF  }
0xbf: {  	[dreg:$0x0] =	wrdreg $0xFFFFFFFF;
	(pc) =	sbr.abs _section_cstart, $3  }
0xc0: {  	[dreg:$0x1] =	wrdreg $0xFFFFFFFF  }
0xc1: {  	_ =	task.clear_ibuf [dreg:s7], $0x2FFFF;
	_ =	strace $0x9FFFFFFF  }
0xc2: {  	(tm) =	ssettm $0x7FFFFFFF  }
0xc3: {  	_ =	shalt  }
tec
execute0_lowered:
.L_overlay_start_1:
0x0: {  	(tag) =	ssettag $0x1  }
0x1: {  	s0 =	rddreg [dreg:$0x0];
	s1 =	srdreg.scid  }
0x2: {  	s10 =	stileid.u32;
	s2 =	rddreg [dreg:$0x1];
	s3 =	simm.s32 $0x0  }
0x3: {  	s28 =	simm.s32 $0x5;
	s30 =	simm.s32 $0x3;
	s19 =	smul.u32 $0xC8000, s10  }
0x4: {  	s31 =	simm.s32 $0x6;
	s1 =	sand.u32 $0x1, s1;
	s20 =	smul.u32 $0x3200, s10  }
0x5: {  	s4 =	sshll.u32 s10, $0x1;
	[smem:$0x7FF] =	sst s3;
	s23 =	smul.u32 $0x1900, s1  }
0x6: {  	s4 =	sor.u32 s1, s4;
	s6 =	ssub.s32 $0x2, s1;
	s1 =	smul.u32 $0x64000, s1  }
0x7: {  	s29 =	simm.s32 $0x8;
	_ =	strace $0x80000047;
	s5 =	smul.u32 $0x1900, s4  }
0x8: {  	s8 =	sshrl.u32 s6, $0x1;
	s9 =	smul.u32 $0x64000, s4;
	s4 =	sadd.s32 $0xF42E00, s0  }
0x9: {  	s16 =	ssub.s32 s6, s8;
	s25 =	sadd.s32 s23, s20;
	s1 =	sadd.s32 s1, s19  }
0xa: {  	s19 =	simm.s32 $0x1900;
	s20 =	simm.s32 $0x3900;
	s23 =	simm.s32 $0x1  }
0xb: {  	s7 =	sshrl.u32 s5, $0x3;
	s18 =	sshrl.u32 s9, $0x3;
	s5 =	sshll.u32 s5, $0x3  }
0xc: {  	s9 =	sadd.s32 $0x8000, s1;
	s1 =	sadd.s32 $0xE000, s1;
	s7 =	sadd.s32 s7, s0  }
0xd: {  	s6 =	sadd.s32 s2, s18;
	s0 =	smax.u32 s16, $0x1;
	s24 =	sadd.s32 s2, s5  }
0xe: {  	s26 =	sshrl.u32 s1, $0x3;
	s17 =	sadd.s32 $0xA00, s7;
	[dreg:$0x6] =	wrdreg s0  }
0xf: {  	s18 =	simm.s32 $0x80;
	s21 =	sadd.s32 $0xC000, s6;
	[dreg:$0x3] =	wrdreg s17  }
0x10: {  	s1 =	simm.s32 $0x0;
	s22 =	sadd.s32 $0xC400, s6;
	[dreg:$0x4] =	wrdreg s21  }
0x11: {  	s5 =	sadd.s32 $0x400, s24;
	s0 =	sadd.s32 $0x800, s24;
	[dreg:$0x5] =	wrdreg s22  }
.Ltmp0:
0x12: {  	s12 =	sadd.s32 $0xC00, s6;
	[dreg:$0x7] =	wrdreg s5;
	(pc) =	sbr.rel .LBB2_1-.Ltmp0, $4  }
0x13: {  	s24 =	sadd.s32 s26, s2;
	s26 =	simm.s32 $0x2;
	[dreg:$0x8] =	wrdreg s0  }
0x14: {  	s0 =	sshll.u32 s25, $0x3;
	s17 =	simm.s32 $0x9;
	s22 =	simm.s32 $0x5900  }
0x15: {  	s25 =	simm.s32 $0x7900;
	s21 =	simm.s32 $0x7;
	s0 =	sadd.s32 s2, s0  }
0x16: {  	s8 =	sadd.s32 $0x1800, s0;
	s7 =	sadd.s32 $0x1400, s0;
	s0 =	simm.s32 $0x4  }
.LBB2_4:
0x17: {  	_ =	swait.ge [sflag:s23], $0x2000  }
0x18: {  	[sflag:s23] =	ssyncset.done $0x0  }
0x19: {  	s5 =	rddreg [dreg:$0x4];
	[sflag:s23] =	ssyncadd.s32 $0xFFFFE000  }
0x1a: {  	[hbm4b:s5+s3] =	stream.linear.scatter [tilespmem:s19], [sflag:$0x5], $0x2000, $0x38;
	[tilespmem:$0x9900] =	vst v63  }
0x1b: {  	_ =	swait.ge [sflag:s29], $0x2000  }
0x1c: {  	[sflag:s29] =	ssyncset.done $0x0  }
0x1d: {  	[sflag:s29] =	ssyncadd.s32 $0xFFFFE000  }
0x1e: {  	_ =	swait.ge [sflag:s26], $0x2000  }
0x1f: {  	[sflag:s26] =	ssyncset.done $0x0  }
0x20: {  	s15 =	rddreg [dreg:$0x5];
	[sflag:s26] =	ssyncadd.s32 $0xFFFFE000  }
0x21: {  	[hbm4b:s15+s3] =	stream.linear.scatter [tilespmem:s20], [sflag:$0x6], $0x2000, $0x38;
	[tilespmem:$0x9900] =	vst v63  }
0x22: {  	_ =	swait.ge [sflag:s28], $0x2000  }
0x23: {  	[sflag:s28] =	ssyncset.done $0x0  }
0x24: {  	[sflag:s28] =	ssyncadd.s32 $0xFFFFE000  }
0x25: {  	_ =	swait.ge [sflag:s31], $0x2000  }
0x26: {  	s1 =	sadd.s32 $0x1, s1;
	s16 =	rddreg [dreg:$0x6]  }
0x27: {  	p0 =	sne.s32 s1, s16  }
.Ltmp1:
0x28: {  	_ = 	snop;
	(pc) =	sbr.rel @!p0 .LBB2_5-.Ltmp1, $3  }
0x29: {  	_ =	sdelay $0x1  }
0x2a: {  	[sflag:s31] =	ssyncset.done $0x0  }
0x2b: {  	[sflag:s31] =	ssyncadd.s32 $0xFFFFE000  }
.LBB2_1:
0x2c: {  	s5 =	rddreg [dreg:$0x3]  }
0x2d: {  	[tilespmem:s3], [sflag:$0x9] =	stream.linear.gather [hbm4b:s5+s3], $0x1900, $0x38;
	[tilespmem:$0x9900] =	vst v63  }
0x2e: {  	_ =	swait.ge [sflag:s17], $0x1900  }
0x2f: {  	[sflag:s17] =	ssyncset.done $0x0  }
0x30: {  	[sflag:s17] =	ssyncadd.s32 $0xFFFFE700  }
0x31: {  	[tilespmem:s19], [sflag:$0x1] =	stream.indirect.gather [hbm4b:s4+s18], $0x40, s3, s18, $0xb8;
	[tilespmem:$0x9900] =	vst v63  }
0x32: {  	_ = 	snop  }
0x33: {  	[tilespmem:s20], [sflag:$0x2] =	stream.indirect.gather [hbm4b:s4+s18], $0x40, s18, s18, $0xb8;
	[tilespmem:$0x9900] =	vst v63  }
0x34: {  	s16 =	simm.s32 $0x100  }
0x35: {  	[tilespmem:s22], [sflag:$0x3] =	stream.indirect.gather [hbm4b:s4+s18], $0x40, s16, s18, $0xb8;
	[tilespmem:$0x9900] =	vst v63  }
0x36: {  	_ =	swait.ge [sflag:s23], $0x2000  }
0x37: {  	[sflag:s23] =	ssyncset.done $0x0  }
0x38: {  	[sflag:s23] =	ssyncadd.s32 $0xFFFFE000  }
0x39: {  	[hbm4b:s6+s3] =	stream.linear.scatter [tilespmem:s19], [sflag:$0x5], $0x2000, $0x38;
	[tilespmem:$0x9900] =	vst v63  }
0x3a: {  	s10 =	simm.s32 $0x180  }
0x3b: {  	[tilespmem:s25], [sflag:$0x4] =	stream.indirect.gather [hbm4b:s4+s18], $0x40, s10, s18, $0xb8;
	[tilespmem:$0x9900] =	vst v63  }
0x3c: {  	_ =	swait.ge [sflag:s26], $0x2000  }
0x3d: {  	[sflag:s26] =	ssyncset.done $0x0  }
0x3e: {  	s11 =	rddreg [dreg:$0x7];
	[sflag:s26] =	ssyncadd.s32 $0xFFFFE000  }
0x3f: {  	[hbm4b:s11+s3] =	stream.linear.scatter [tilespmem:s20], [sflag:$0x6], $0x2000, $0x38;
	[tilespmem:$0x9900] =	vst v63  }
0x40: {  	_ =	swait.ge [sflag:s28], $0x2000  }
0x41: {  	[sflag:s28] =	ssyncset.done $0x0  }
0x42: {  	s13 =	simm.s32 $0x200;
	[sflag:s28] =	ssyncadd.s32 $0xFFFFE000  }
0x43: {  	[tilespmem:s19], [sflag:$0x1] =	stream.indirect.gather [hbm4b:s4+s18], $0x40, s13, s18, $0xb8;
	[tilespmem:$0x9900] =	vst v63  }
0x44: {  	_ =	swait.ge [sflag:s30], $0x2000  }
0x45: {  	[sflag:s30] =	ssyncset.done $0x0  }
0x46: {  	s14 =	rddreg [dreg:$0x8];
	[sflag:s30] =	ssyncadd.s32 $0xFFFFE000  }
0x47: {  	[hbm4b:s14+s3] =	stream.linear.scatter [tilespmem:s22], [sflag:$0x7], $0x2000, $0x38;
	[tilespmem:$0x9900] =	vst v63  }
0x48: {  	_ =	swait.ge [sflag:s31], $0x2000  }
0x49: {  	[sflag:s31] =	ssyncset.done $0x0  }
0x4a: {  	s15 =	simm.s32 $0x280;
	[sflag:s31] =	ssyncadd.s32 $0xFFFFE000  }
0x4b: {  	[tilespmem:s20], [sflag:$0x2] =	stream.indirect.gather [hbm4b:s4+s18], $0x40, s15, s18, $0xb8;
	[tilespmem:$0x9900] =	vst v63  }
0x4c: {  	_ =	swait.ge [sflag:s0], $0x2000  }
0x4d: {  	[sflag:s0] =	ssyncset.done $0x0  }
0x4e: {  	[sflag:s0] =	ssyncadd.s32 $0xFFFFE000  }
0x4f: {  	[hbm4b:s12+s3] =	stream.linear.scatter [tilespmem:s25], [sflag:$0x8], $0x2000, $0x38;
	[tilespmem:$0x9900] =	vst v63  }
0x50: {  	_ =	swait.ge [sflag:s21], $0x2000  }
0x51: {  	s5 =	simm.s32 $0x0;
	[sflag:s21] =	ssyncset.done $0x0  }
0x52: {  	s16 =	simm.s32 $0x300;
	s13 =	smov.u32 s9;
	[sflag:s21] =	ssyncadd.s32 $0xFFFFE000  }
0x53: {  	[tilespmem:s22], [sflag:$0x3] =	stream.indirect.gather [hbm4b:s4+s18], $0x40, s16, s18, $0xb8;
	[tilespmem:$0x9900] =	vst v63  }
0x54: {  	s14 =	smov.u32 s8;
	s15 =	smov.u32 s7;
	s16 =	smov.u32 s24  }
.LBB2_2:
0x55: {  	_ =	swait.ge [sflag:s23], $0x2000  }
0x56: {  	s10 =	sshrl.u32 s13, $0x3;
	[sflag:s23] =	ssyncset.done $0x0  }
0x57: {  	s10 =	sadd.s32 s2, s10;
	[sflag:s23] =	ssyncadd.s32 $0xFFFFE000  }
0x58: {  	[hbm4b:s10+s3] =	stream.linear.scatter [tilespmem:s19], [sflag:$0x5], $0x2000, $0x38;
	[tilespmem:$0x9900] =	vst v63  }
0x59: {  	_ =	swait.ge [sflag:s29], $0x2000  }
0x5a: {  	s10 =	sshra.s32 s5, $0x2;
	[sflag:s29] =	ssyncset.done $0x0  }
0x5b: {  	s11 =	sadd.s32 $0x380, s10;
	[sflag:s29] =	ssyncadd.s32 $0xFFFFE000  }
0x5c: {  	[tilespmem:s25], [sflag:$0x4] =	stream.indirect.gather [hbm4b:s4+s18], $0x40, s11, s18, $0xb8;
	[tilespmem:$0x9900] =	vst v63  }
0x5d: {  	_ =	swait.ge [sflag:s26], $0x2000  }
0x5e: {  	[sflag:s26] =	ssyncset.done $0x0  }
0x5f: {  	[sflag:s26] =	ssyncadd.s32 $0xFFFFE000  }
0x60: {  	[hbm4b:s15+s3] =	stream.linear.scatter [tilespmem:s20], [sflag:$0x6], $0x2000, $0x38;
	[tilespmem:$0x9900] =	vst v63  }
0x61: {  	_ =	swait.ge [sflag:s28], $0x2000  }
0x62: {  	[sflag:s28] =	ssyncset.done $0x0  }
0x63: {  	s11 =	sadd.s32 $0x400, s10;
	[sflag:s28] =	ssyncadd.s32 $0xFFFFE000  }
0x64: {  	[tilespmem:s19], [sflag:$0x1] =	stream.indirect.gather [hbm4b:s4+s18], $0x40, s11, s18, $0xb8;
	[tilespmem:$0x9900] =	vst v63  }
0x65: {  	_ =	swait.ge [sflag:s30], $0x2000  }
0x66: {  	[sflag:s30] =	ssyncset.done $0x0  }
0x67: {  	[sflag:s30] =	ssyncadd.s32 $0xFFFFE000  }
0x68: {  	[hbm4b:s14+s3] =	stream.linear.scatter [tilespmem:s22], [sflag:$0x7], $0x2000, $0x38;
	[tilespmem:$0x9900] =	vst v63  }
0x69: {  	_ =	swait.ge [sflag:s31], $0x2000  }
0x6a: {  	[sflag:s31] =	ssyncset.done $0x0  }
0x6b: {  	s11 =	sadd.s32 $0x480, s10;
	[sflag:s31] =	ssyncadd.s32 $0xFFFFE000  }
0x6c: {  	[tilespmem:s20], [sflag:$0x2] =	stream.indirect.gather [hbm4b:s4+s18], $0x40, s11, s18, $0xb8;
	[tilespmem:$0x9900] =	vst v63  }
0x6d: {  	_ =	swait.ge [sflag:s0], $0x2000  }
0x6e: {  	p0 =	seq.s32 s5, $0x5000;
	[sflag:s0] =	ssyncset.done $0x0  }
.Ltmp2:
0x6f: {  	[sflag:s0] =	ssyncadd.s32 $0xFFFFE000;
	(pc) =	sbr.rel @p0 .LBB2_4-.Ltmp2, $4  }
0x70: {  	[hbm4b:s16+s3] =	stream.linear.scatter [tilespmem:s25], [sflag:$0x8], $0x2000, $0x38;
	[tilespmem:$0x9900] =	vst v63  }
0x71: {  	_ =	swait.ge [sflag:s21], $0x2000  }
0x72: {  	[sflag:s21] =	ssyncset.done $0x0  }
0x73: {  	[sflag:s21] =	ssyncadd.s32 $0xFFFFE000  }
.Ltmp3:
0x74: {  	(pc) =	sbr.rel .LBB2_2-.Ltmp3, $4  }
0x75: {  	_ = 	snop  }
0x76: {  	s10 =	sadd.s32 $0x500, s10;
	s13 =	sadd.s32 $0x8000, s13;
	s14 =	sadd.s32 $0x1000, s14  }
0x77: {  	s15 =	sadd.s32 $0x1000, s15;
	s5 =	sadd.s32 $0x800, s5;
	s16 =	sadd.s32 $0x1000, s16  }
0x78: {  	[tilespmem:s22], [sflag:$0x3] =	stream.indirect.gather [hbm4b:s4+s18], $0x40, s10, s18, $0xb8;
	[tilespmem:$0x9900] =	vst v63  }
.LBB2_5:
0x79: {  	_ =	sfence.sel $0x180000  }
0x7a: {  	[bflag:$0x0] =	sbarrier.arrive $0xFFFF  }
0x7b: {  	_ =	strace $0x90000047  }
0x7c: {  	s0 =	stileid.u32;
	[bflag:$0x2] =	sbarrier.arrive $0xFFFF  }
0x7d: {  	p0 =	sne.s32 s0, $0x0;
	s0 =	rddreg [dreg:$0x2]  }
0x7e: {  	s0 =	sadd.s32 @!p0 $0x100000, s0  }
0x7f: {  	[sflag:s0] =	ssyncadd.tile.s32 @!p0 $0x1;
	_ =	shalt  }
.Lfunc_end2:
_tile_overlayer_lowered:
.L_overlay_start_2:
0x80: {  	(tag) =	ssettag $0x2  }
0x81: {  	s0 =	rddreg [dreg:$0x0];
	s2 =	stileid.u32  }
0x82: {  	s1 =	rddreg [dreg:$0x1];
	p0 =	sne.s32 s2, $0x0  }
0x83: {  	s3 =	rddreg [dreg:$0x2];
	[bflag:$0x3] =	sbarrier.arrive $0xFFFF;
	s2 =	simm.s32 @!p0 $0x1C09  }
0x84: {  	[timem:s3], [sflag:s2] =	dma.local @!p0 [hbm:s0], s1  }
0x85: {  	s0 =	simm.s32 @!p0 $0x9  }
0x86: {  	_ =	swait.ge @!p0 [sflag:s0], s1  }
0x87: {  	s1 =	ssub.s32 @!p0 $0x0, s1;
	[sflag:s0] =	ssyncset.done @!p0 $0x0  }
0x88: {  	[sflag:s0] =	ssyncadd.s32 @!p0 s1  }
0x89: {  	[bflag:$0x3] =	sbarrier.arrive $0xFFFF  }
0x8a: {  	_ =	shalt  }

// kernel: sparse-core-data-format-call.cloned.1.call-start
scs
called_computation_lowered:
.L_overlay_start_0:
0x0: {  	s2 =	sld [smem:$0x3FD9]  }
0x1: {  	s3 =	sld [smem:$0x3FFE];
	_ =	sdelay $0x1  }
0x2: {  	s1 =	srdreg.scid  }
0x3: {  	s0 =	sand.u32 $0x1, s1  }
0x4: {  	s18 =	sshll.u32 s0, $0xA;
	s2 =	sadd.s32 s3, s2  }
0x5: {  	s2 =	sadd.s32 s2, s18  }
0x6: {  	[smem:$0x3FC6] =	sst s2  }
0x7: {  	_ = 	snop  }
0x8: {  	s2 =	sld [smem:$0x3FD0];
	(tm) =	ssettm $0x1  }
0x9: {  	s19 =	sld [smem:$0x3FFB];
	_ =	sdelay $0x3  }
0xa: {  	_ =	strace s19  }
0xb: {  	s3 =	sld [smem:$0x3FFC];
	_ =	sdelay $0x3  }
0xc: {  	_ =	strace s3  }
0xd: {  	s3 =	sld [smem:$0x3FFD];
	_ =	sdelay $0x3  }
0xe: {  	_ =	strace s3  }
0xf: {  	_ =	strace $0x8FFFFFFF  }
0x10: {  	s20 =	sld [smem:$0x3FDB];
	_ =	sdelay $0x1  }
0x11: {  	s4 =	simm.s32 $_scs_section_size  }
0x12: {  	s5 =	simm.s32 $_size__tile_overlayer_lowered;
	s6 =	simm.s32 $_tile_overlayer_lowered  }
0x13: {  	s23 =	simm.s32 $0x1BFF;
	s22 =	sshll.u32 s6, $0x1;
	s3 =	sadd.s32 s4, s20  }
0x14: {  	s7 =	simm.s32 $0x0;
	s21 =	sshll.u32 s5, $0x1;
	s5 =	sadd.s32 s22, s3  }
0x15: {  	[timem:s7], [sflag:s23] =	dma.local [hbm:s5], s21  }
0x16: {  	_ =	swait.ge [sflag:s23], s21  }
0x17: {  	s4 =	ssub.s32 $0x0, s21;
	[sflag:s23] =	ssyncset.done $0x0  }
0x18: {  	[sflag:s23] =	ssyncadd.s32 s4;
	_ =	sdelay $0x1  }
0x19: {  	s24 =	simm.s32 $0x1B8B  }
0x1a: {  	_ =	swait.ge [sflag:s24], $0x1  }
0x1b: {  	[sflag:s24] =	ssyncset.done $0x0  }
0x1c: {  	s26 =	simm.s32 $0x1B8E;
	s25 =	sld [smem:$0x3FFE];
	[sflag:s24] =	ssyncadd.s32 $0xFFFFFFFF  }
0x1d: {  	s27 =	simm.s32 $execute0_lowered;
	[smem:$0x3FD2] =	sst s26  }
0x1e: {  	s5 =	sshll.u32 s27, $0x1;
	_ =	strace $0x80000049;
	[dreg:$0x1] =	wrdreg $0xFFFFFFFF  }
0x1f: {  	s28 =	simm.s32 $_size_execute0_lowered;
	s3 =	sadd.s32 s3, s5;
	[dreg:$0x0] =	wrdreg $0x0  }
0x20: {  	s5 =	sshll.u32 s28, $0x1;
	[dreg:$0x2] =	wrdreg s3  }
0x21: {  	[dreg:$0x3] =	wrdreg s5  }
0x22: {  	[dreg:$0x4] =	wrdreg $0xC0  }
0x23: {  	_ =	task [dreg:s7], $0x5FFFF  }
0x24: {  	[dreg:$0x1] =	wrdreg $0xFFFFFFFF  }
0x25: {  	[dreg:$0x0] =	wrdreg $0x60  }
0x26: {  	[dreg:$0x2] =	wrdreg s25  }
0x27: {  	[dreg:$0x3] =	wrdreg s2  }
0x28: {  	[dreg:$0x4] =	wrdreg $0x9  }
0x29: {  	_ =	task.clear_ibuf [dreg:s7], $0x5FFFF;
	_ =	strace $0x90000049  }
0x2a: {  	s29 =	simm.s32 $0x9;
	_ =	strace $0x8000004B  }
0x2b: {  	_ =	swait.ge [sflag:s29], $0x1  }
0x2c: {  	[sflag:s29] =	ssyncadd.s32 $0xFFFFFFFF  }
0x2d: {  	_ =	strace $0x9000004B  }
0x2e: {  	_ =	sfence  }
0x2f: {  	s30 =	sld [smem:$0x0];
	_ =	sdelay $0x2  }
0x30: {  	s31 =	sshll.u32 s1, $0xD;
	s1 =	sshrl.u32 s1, $0x2  }
0x31: {  	s3 =	sand.u32 $0x4000, s31;
	s1 =	sadd.s32 s1, s30  }
0x32: {  	s0 =	sor.u32 s3, s0;
	s1 =	sshll.u32 s1, $0x11  }
0x33: {  	s0 =	sor.u32 s1, s0  }
0x34: {  	s0 =	sadd.s32 $0x8F2B, s0  }
0x35: {  	[sflag:s0] =	ssyncadd.remote.s32 $0x1  }
0x36: {  	_ =	sfence.sel $0xFFFF  }
0x37: {  	[dreg:$0x0] =	wrdreg $0xFFFFFFFF;
	(pc) =	sbr.abs _section_cstart, $3  }
0x38: {  	[dreg:$0x1] =	wrdreg $0xFFFFFFFF  }
0x39: {  	_ =	task.clear_ibuf [dreg:s7], $0x2FFFF;
	_ =	strace $0x9FFFFFFF  }
0x3a: {  	(tm) =	ssettm $0x7FFFFFFF  }
0x3b: {  	_ =	shalt  }
tec
execute0_lowered:
.L_overlay_start_1:
0x0: {  	(tag) =	ssettag $0x1  }
0x1: {  	s0 =	srdreg.scid  }
0x2: {  	s1 =	sshll.u32 s0, $0x4  }
0x3: {  	s0 =	stileid.u32;
	s1 =	sand.u32 $0x10, s1  }
0x4: {  	s1 =	sor.u32 s0, s1  }
0x5: {  	s6 =	rddreg [dreg:$0x0];
	s4 =	simm.s32 $0x1;
	s2 =	sshll.u32 s1, $0x7  }
0x6: {  	s7 =	simm.s32 $0x2;
	s12 =	simm.s32 $0x0;
	s1 =	ssub.s32 $0x1000, s2  }
0x7: {  	s8 =	simm.s32 $0x8000;
	s13 =	simm.s32 $0x0;
	s3 =	sand.u32 $0xF80, s1  }
0x8: {  	s9 =	simm.s32 $0x0;
	s5 =	sshrl.u32 s1, $0xC;
	p0 =	sne.s32 s3, $0x0  }
.Ltmp0:
0x9: {  	s1 =	rddreg [dreg:$0x2];
	s4 =	simm.s32 @!p0 $0x0;
	(pc) =	sbr.rel .LBB1_1-.Ltmp0, $4  }
0xa: {  	s11 =	simm.s32 $0x0;
	s3 =	rddreg [dreg:$0x1];
	s5 =	sadd.s32 s4, s5  }
0xb: {  	_ =	strace $0x8000004A;
	s4 =	simm.s32 $0x1;
	s5 =	smul.u32 $0x32, s5  }
0xc: {  	s6 =	sadd.s32 $0xA00, s6;
	s10 =	smov.u32 s2;
	[sflag:s4] =	ssyncpa.u1 $0x0  }
0xd: {  	p0 =	por $0x0, $0x0;
	[sflag:s7] =	ssyncpa.u1 $0x0;
	s7 =	sor.u32 $0x1, s5  }
.LBB1_4:
0xe: {  	s16 =	sshll.u32 s13, $0x3;
	s17 =	sand.u32 $0x78, s13  }
0xf: {  	s30 =	sand.u32 $0x7E00, s13;
	s12 =	sshll.u32 s12, $0xF;
	s16 =	sand.u32 $0xC00, s16  }
0x10: {  	[tilespmem:s15+$0x810 ss:$0x81] =	vst.msk $0xffff, v2;
	s31 =	sand.u32 $0x7, s13;
	s16 =	sor.u32 s17, s16;
	s17 =	sadd.s32 s3, s30  }
0x11: {  	[tilespmem:s15+$0x1020 ss:$0x81] =	vst.msk $0xffff, v0;
	s13 =	sshll.u32 s31, $0x12;
	s12 =	sadd.s32 s12, s17;
	s16 =	sshrl.u32 s16, $0x3  }
0x12: {  	[tilespmem:s15+$0x0 ss:$0x81] =	vst.msk $0xffff, v1;
	s13 =	sor.u32 $0x400, s13;
	s12 =	sadd.s32 s16, s12  }
0x13: {  	[hbm4b:s12+s13] =	stream.strided.scatter [tilespmem:s14], [sflag:$0x2], $0x2000, s8, s13, $0x20;
	[tilespmem:$0x8080] =	vst v63  }
.LBB1_5:
0x14: {  	s14 =	sadd.s32 $0x1, s9  }
0x15: {  	s12 =	sadd.s32 $0x1000, s10;
	s16 =	smov.u32 s10;
	p2 =	sgt.s32 s14, $0x31  }
0x16: {  	s16 =	smov.u32 @p2 s12  }
0x17: {  	s14 =	simm.s32 @p2 $0x0;
	p2 =	sgt.s32 s16, $0xFFF  }
0x18: {  	s16 =	smov.u32 @p2 s2;
	p2 =	sne.s32 s11, s7  }
.Ltmp1:
0x19: {  	p1 =	slt.u32 s11, $0x2;
	(pc) =	sbr.rel @!p2 .LBB1_6-.Ltmp1, $4  }
0x1a: {  	s15 =	simm.s32 @!p1 $0x2  }
0x1b: {  	s13 =	smov.u32 s10;
	p0 =	por !p0, !p0;
	_ =	swait.ge @!p1 [sflag:s15], $0x2000  }
0x1c: {  	s12 =	smov.u32 s9;
	[sflag:s15] =	ssyncset.done @!p1 $0x0;
	s9 =	smov.u32 s14  }
0x1d: {  	s11 =	sadd.s32 $0x1, s11;
	[sflag:s15] =	ssyncadd.s32 @!p1 $0xFFFFE000;
	s10 =	smov.u32 s16  }
.LBB1_1:
0x1e: {  	p1 =	sge.u32 s11, s5  }
0x1f: {  	s14 =	sand.u32 @!p1 $0x1FFFFFF, s9  }
0x20: {  	s15 =	smulhi.u32 @!p1 $0x4924925, s14;
	_ =	sdelay $0x1  }
0x21: {  	s15 =	smul.u32 @!p1 $0x38, s15  }
0x22: {  	s16 =	sxor.u32 @!p1 $0xFFFFFFFF, s11;
	s17 =	smul.u32 @!p1 $0x380, s10  }
0x23: {  	s31 =	sadd.s32 $0xFFFFFFFF, s11;
	s16 =	sshll.u32 @!p1 s16, $0xD;
	s14 =	ssub.s32 @!p1 s14, s15  }
0x24: {  	s15 =	sand.u32 @!p1 $0x2000, s16;
	s16 =	sadd.s32 @!p1 s6, s17;
	s14 =	sshll.u32 @!p1 s14, $0x4  }
0x25: {  	s17 =	simm.s32 @!p1 $0x1C00;
	s14 =	sadd.s32 @!p1 s14, s16;
	s16 =	simm.s32 @!p1 $0x40  }
0x26: {  	[tilespmem:s15], [sflag:$0x1] =	stream.strided.gather @!p1 [hbm4b:s14+s16], $0x2000, s17, s16, $0x38;
	[tilespmem:$0x8080] =	vst v63  }
0x27: {  	p1 =	sge.u32 s31, s5  }
.Ltmp2:
0x28: {  	_ = 	snop;
	(pc) =	sbr.rel @p1 .LBB1_5-.Ltmp2, $1  }
0x29: {  	_ =	sdelay $0x3  }
0x2a: {  	s14 =	simm.s32 $0x1  }
0x2b: {  	_ =	swait.ge [sflag:s4], $0x2000;
	s14 =	simm.s32 @!p0 $0x0  }
0x2c: {  	[sflag:s4] =	ssyncset.done $0x0;
	s15 =	sshll.u32 s14, $0xD  }
0x2d: {  	[sflag:s4] =	ssyncadd.s32 $0xFFFFE000;
	s18 =	sor.u32 $0x20, s15  }
0x2e: {  	s14 =	smul.u32 $0x8100, s14;
	v3 =	vld [tilespmem:s18+$0x10]  }
0x2f: {  	s30 =	sand.u32 $0x1, s11;
	v2 =	vld [tilespmem:s18+$0xFFFFFFF0]  }
0x30: {  	s15 =	smul.u32 $0x8100, s30;
	s14 =	sshrl.u32 s14, $0x2;
	v0 =	vld [tilespmem:s18+$0x0]  }
0x31: {  	v1 =	vld [tilespmem:s18+$0xFFFFFFE0];
	s16 =	sor.u32 $0x4000, s14  }
0x32: {  	s31 =	sshrl.u32 s15, $0x2;
	s15 =	sadd.s32 $0x0, s16  }
0x33: {  	s17 =	simm.s32 $0x4;
	s18 =	sadd.s32 $0x40, s18;
	s14 =	sor.u32 $0x4000, s31;
	[tilespmem:s15+$0x1830 ss:$0x81] =	vst.msk $0xffff, v3  }
.LBB1_3:
0x34: {  	v3 =	vld [tilespmem:s18+$0x10];
	p1 =	sne.s32 s17, $0x1FC;
	[tilespmem:s15+$0x810 ss:$0x81] =	vst.msk $0xffff, v2;
	s19 =	smov.u32 s17;
	s17 =	sadd.s32 $0x4, s17  }
.Ltmp3:
0x35: {  	v2 =	vld [tilespmem:s18+$0xFFFFFFF0];
	[tilespmem:s15+$0x1020 ss:$0x81] =	vst.msk $0xffff, v0;
	(pc) =	sbr.rel @p1 .LBB1_3-.Ltmp3, $4  }
0x36: {  	v0 =	vld [tilespmem:s18+$0x0];
	[tilespmem:s15+$0x0 ss:$0x81] =	vst.msk $0xffff, v1  }
0x37: {  	s15 =	sshra.s32 s19, $0x2;
	v1 =	vld [tilespmem:s18+$0xFFFFFFE0]  }
0x38: {  	s15 =	sadd.s32 s15, s16  }
0x39: {  	s18 =	sadd.s32 $0x40, s18;
	[tilespmem:s15+$0x1830 ss:$0x81] =	vst.msk $0xffff, v3  }
.Ltmp4:
0x3a: {  	_ = 	snop;
	(pc) =	sbr.rel .LBB1_4-.Ltmp4, $1  }
0x3b: {  	_ =	sdelay $0x3  }
.LBB1_6:
0x3c: {  	_ =	sfence.sel $0x180000  }
0x3d: {  	s2 =	simm.s32 $0x1;
	[bflag:$0x0] =	sbarrier.arrive $0xFFFF  }
0x3e: {  	s31 =	simm.s32 $0x2;
	[sflag:s2] =	ssyncpa.u1 $0x1  }
0x3f: {  	[sflag:s31] =	ssyncpa.u1 $0x1  }
0x40: {  	p0 =	sne.s32 s0, $0x0;
	_ =	strace $0x9000004A  }
0x41: {  	s0 =	sadd.s32 @!p0 $0x100000, s1;
	[bflag:$0x2] =	sbarrier.arrive $0xFFFF  }
0x42: {  	[sflag:s0] =	ssyncadd.tile.s32 @!p0 $0x1;
	_ =	shalt  }
.Lfunc_end1:
_tile_overlayer_lowered:
.L_overlay_start_2:
0x43: {  	(tag) =	ssettag $0x2  }
0x44: {  	s0 =	rddreg [dreg:$0x0];
	s2 =	stileid.u32  }
0x45: {  	s1 =	rddreg [dreg:$0x1];
	p0 =	sne.s32 s2, $0x0  }
0x46: {  	s3 =	rddreg [dreg:$0x2];
	[bflag:$0x3] =	sbarrier.arrive $0xFFFF;
	s2 =	simm.s32 @!p0 $0x1C01  }
0x47: {  	[timem:s3], [sflag:s2] =	dma.local @!p0 [hbm:s0], s1  }
0x48: {  	s0 =	simm.s32 @!p0 $0x1  }
0x49: {  	_ =	swait.ge @!p0 [sflag:s0], s1  }
0x4a: {  	s1 =	ssub.s32 @!p0 $0x0, s1;
	[sflag:s0] =	ssyncset.done @!p0 $0x0  }
0x4b: {  	[sflag:s0] =	ssyncadd.s32 @!p0 s1  }
0x4c: {  	[bflag:$0x3] =	sbarrier.arrive $0xFFFF  }
0x4d: {  	_ =	shalt  }

</sc_bundles>
